<compile_context>
chip_gen: v7x
topology: tpu7x:2x2x1
jax: 0.10.2.dev20260603
libtpu: 0.0.44.dev20260713+nightly
codegen_flags: <defaults>
</compile_context>

<pallas_src>
import functools

import jax
import jax.numpy as jnp
from jax import lax
from jax.experimental import pallas as pl
from jax.experimental.pallas import tpu as pltpu
from jax.experimental.pallas import tpu_sc as plsc

_BATCH = 4096
_SEQ_LEN = 200
_EMSIZE = 64
_VOCAB = 1000000

_NC = 2
_NS = 16
_NW = _NC * _NS

_ROWS_PER_W = _BATCH // _NW
_CHUNKS = (128, 72)
_OFFS = (0, 128)
_K = 2
_SLOTS = 4
_NGROUP = _ROWS_PER_W

_mesh = plsc.VectorSubcoreMesh(core_axis_name="c", subcore_axis_name="s")


@functools.partial(
    pl.kernel,
    out_type=jax.ShapeDtypeStruct((_BATCH * _SEQ_LEN, 2 * _EMSIZE), jnp.float32),
    mesh=_mesh,
    scratch_types=[
        pltpu.VMEM((_ROWS_PER_W, _SEQ_LEN), jnp.int32),
        pltpu.VMEM((_SLOTS, _CHUNKS[0], _EMSIZE), jnp.float32),
        pltpu.VMEM((_SLOTS, _CHUNKS[1], _EMSIZE), jnp.float32),
        pltpu.SemaphoreType.DMA((_SLOTS,)),
        pltpu.SemaphoreType.DMA((_SLOTS,)),
    ],
    compiler_params=pltpu.CompilerParams(use_tc_tiling_on_sc=False),
)
def _embed_sc(seq_hbm, table_hbm, out_hbm, idx_v, rows_a, rows_b, gsem, wsem):
    wid = lax.axis_index("s") * _NC + lax.axis_index("c")
    b0 = wid * _ROWS_PER_W
    pltpu.sync_copy(seq_hbm.at[pl.ds(b0, _ROWS_PER_W), :], idx_v)

    _rings = (rows_a, rows_b)

    def _issue_gathers(g, s):
        for k in range(_K):
            pltpu.async_copy(
                table_hbm.at[idx_v.at[g, pl.ds(_OFFS[k], _CHUNKS[k])]],
                _rings[k].at[s],
                gsem.at[s],
            )

    def _drain_gathers(g, s):
        for k in range(_K):
            pltpu.make_async_copy(
                table_hbm.at[idx_v.at[g, pl.ds(_OFFS[k], _CHUNKS[k])]],
                _rings[k].at[s],
                gsem.at[s],
            ).wait()

    def _writes(g, s, wait):
        for k in range(_K):
            row0 = (b0 + g) * _SEQ_LEN + _OFFS[k]
            cp = pltpu.make_async_copy(
                _rings[k].at[s],
                out_hbm.at[pl.ds(row0, _CHUNKS[k]), pl.ds(0, _EMSIZE)],
                wsem.at[s],
            )
            if wait:
                cp.wait()
            else:
                cp.start()

    def _body(g, s, drain_old, issue_ahead):
        _drain_gathers(g, s)
        _writes(g, s, wait=False)
        if drain_old:
            _writes(g - 2, (s + 2) % _SLOTS, wait=True)
        if issue_ahead:
            _issue_gathers(g + 2, (s + 2) % _SLOTS)

    _issue_gathers(0, 0)
    _issue_gathers(1, 1)
    _body(0, 0, False, True)
    _body(1, 1, False, True)

    @pl.loop(0, (_NGROUP - 4) // _SLOTS)
    def _steady(t):
        g0 = 2 + t * _SLOTS
        for q in range(_SLOTS):
            _body(g0 + q, (2 + q) % _SLOTS, True, True)

    _body(_NGROUP - 2, (_NGROUP - 2) % _SLOTS, True, False)
    _body(_NGROUP - 1, (_NGROUP - 1) % _SLOTS, True, False)
    _writes(_NGROUP - 2, (_NGROUP - 2) % _SLOTS, wait=True)
    _writes(_NGROUP - 1, (_NGROUP - 1) % _SLOTS, wait=True)


def kernel(sequence, src_word_table):
    out = _embed_sc(sequence, src_word_table)
    return jnp.reshape(out, (_BATCH, _SEQ_LEN, 2 * _EMSIZE))[:, :, :_EMSIZE]

# --- scband reference (transcript-rebuilt; emitter-appended) ---
"""Pipeline reference for scband-embedder-17214228923048 (READ-ONLY COPY).

The authoritative reference and input builder live on the scoring server;
editing this copy changes nothing except your own understanding.
"""

import jax, jax.numpy as jnp
import numpy as np

BATCH = 4096
SEQ_LEN = 200
VOCAB = 1000000
EMSIZE = 64

def setup_inputs(seed: int = 0) -> dict:
    key = jax.random.key(seed)
    k_seq, k_tbl = jax.random.split(key)
    sequence = jax.random.randint(k_seq, (BATCH, SEQ_LEN), 0, VOCAB - 1, dtype=jnp.int32)
    # src word embedding table (padding row PAD=0 zeroed like nn.Embedding padding_idx)
    src_word_table = jax.random.normal(k_tbl, (VOCAB, EMSIZE), dtype=jnp.float32) * 0.02
    src_word_table = src_word_table.at[0].set(0.0)
    return {"sequence": sequence, "src_word_table": src_word_table}


def reference(sequence, src_word_table):
    # mode='encoder', use_src_word=True, use_src_char=False, use_type=False
    # word_rep = src_word_embeddings(sequence.unsqueeze(2)) -> [B, L, emsize]
    word_rep = jnp.take(src_word_table, sequence, axis=0)
    # dropout with p=0.0 (eval) is identity
    return word_rep

if __name__ == "__main__":
    import jax
    _d = setup_inputs()
    print(jax.jit(kernel)(*tuple(_d.values())))

</pallas_src>

<mosaic_0001>
#map = affine_map<(d0, d1) -> (0, 0)>
module attributes {stable_mosaic.version = 14 : i64} {
  func.func @_embed_sc(%arg0: i32, %arg1: i32, %arg2: memref<4096x200xi32, #tpu.memory_space<hbm>>, %arg3: memref<1000000x64xf32, #tpu.memory_space<hbm>>, %arg4: memref<819200x128xf32, #tpu.memory_space<hbm>>, %arg5: memref<128x200xi32, #tpu.memory_space<vmem>>, %arg6: memref<4x128x64xf32, #tpu.memory_space<vmem>>, %arg7: memref<4x72x64xf32, #tpu.memory_space<vmem>>, %arg8: memref<4x!tpu.dma_semaphore, #tpu.memory_space<semaphore_mem>>, %arg9: memref<4x!tpu.dma_semaphore, #tpu.memory_space<semaphore_mem>>) attributes {dimension_semantics = [#tpu.dimension_semantics<core_parallel>, #tpu.dimension_semantics<subcore_parallel>], iteration_bounds = array<i64: 2, 16>, scalar_prefetch = 0 : i64, scratch_operands = 5 : i64, tpu.core_type = #tpu.core_type<sc_vector_subcore>, window_params = [{transform_indices = #map}, {transform_indices = #map}, {transform_indices = #map}]} {
    %mul3A = arith.constant 2 : i32
    %mul3A_0 = arith.muli %arg1, %mul3A : i32
    %add3A = arith.addi %mul3A_0, %arg0 : i32
    %mul3A_1 = arith.constant 128 : i32
    %mul3A_2 = arith.muli %add3A, %mul3A_1 : i32
    "tpu.region"() ({
      %run_scoped3A = tpu.sem_alloc : memref<!tpu.dma_semaphore, #tpu.memory_space<semaphore_mem>>
      %dma_start3A_597 = arith.constant 0 : i32
      %dma_start3A_598 = tpu.memref_slice %arg2[%mul3A_2, %dma_start3A_597] : memref<4096x200xi32, #tpu.memory_space<hbm>> -> memref<128x200xi32, #tpu.memory_space<hbm>>
      %dma_start3A_599 = arith.constant 0 : i32
      %dma_start3A_600 = tpu.memref_slice %arg2[%mul3A_2, %dma_start3A_599] : memref<4096x200xi32, #tpu.memory_space<hbm>> -> memref<128x200xi32, #tpu.memory_space<hbm>>
      tpu.enqueue_dma source(%dma_start3A_600 : memref<128x200xi32, #tpu.memory_space<hbm>>) target(%arg5 : memref<128x200xi32, #tpu.memory_space<vmem>>) target_semaphore(%run_scoped3A : memref<!tpu.dma_semaphore, #tpu.memory_space<semaphore_mem>>)
      %dma_wait3A_601 = arith.constant 0 : i32
      %dma_wait3A_602 = tpu.memref_slice %arg2[%mul3A_2, %dma_wait3A_601] : memref<4096x200xi32, #tpu.memory_space<hbm>> -> memref<128x200xi32, #tpu.memory_space<hbm>>
      %dma_wait3A_603 = arith.constant 0 : i32
      %dma_wait3A_604 = tpu.memref_slice %arg2[%mul3A_2, %dma_wait3A_603] : memref<4096x200xi32, #tpu.memory_space<hbm>> -> memref<128x200xi32, #tpu.memory_space<hbm>>
      tpu.wait_dma2 semaphore(%run_scoped3A : memref<!tpu.dma_semaphore, #tpu.memory_space<semaphore_mem>>) src(%dma_wait3A_604 : memref<128x200xi32, #tpu.memory_space<hbm>>) dst(%arg5 : memref<128x200xi32, #tpu.memory_space<vmem>>)
      tpu.yield
    }) : () -> ()
    %dma_start3A = arith.constant 0 : i32
    %dma_start3A_3 = arith.constant 0 : i32
    %dma_start3A_4 = arith.constant 0 : i32
    %dma_start3A_5 = arith.constant 0 : i32
    %dma_start3A_6 = arith.constant 0 : i32
    %dma_start3A_7 = tpu.memref_slice %arg6[%dma_start3A_3, %dma_start3A_5, %dma_start3A_6] : memref<4x128x64xf32, #tpu.memory_space<vmem>> -> memref<1x128x64xf32, #tpu.memory_space<vmem>>
    %dma_start3A_8 = tpu.memref_squeeze %dma_start3A_7 : memref<1x128x64xf32, #tpu.memory_space<vmem>> -> memref<128x64xf32, #tpu.memory_space<vmem>>
    %dma_start3A_9 = arith.constant 0 : i32
    %dma_start3A_10 = tpu.memref_slice %arg5[%dma_start3A, %dma_start3A_9] : memref<128x200xi32, #tpu.memory_space<vmem>> -> memref<1x128xi32, #tpu.memory_space<vmem>>
    %dma_start3A_11 = tpu.memref_squeeze %dma_start3A_10 : memref<1x128xi32, #tpu.memory_space<vmem>> -> memref<128xi32, #tpu.memory_space<vmem>>
    %dma_start3A_12 = arith.constant 0 : i32
    %dma_start3A_13 = arith.constant 0 : i32
    %dma_start3A_14 = tpu.memref_slice %arg3[%dma_start3A_12, %dma_start3A_13] : memref<1000000x64xf32, #tpu.memory_space<hbm>> -> memref<1000000x64xf32, #tpu.memory_space<hbm>>
    %dma_start3A_15 = tpu.memref_slice %arg8[%dma_start3A_4] : memref<4x!tpu.dma_semaphore, #tpu.memory_space<semaphore_mem>> -> memref<1x!tpu.dma_semaphore, #tpu.memory_space<semaphore_mem>>
    %dma_start3A_16 = tpu.memref_squeeze %dma_start3A_15 : memref<1x!tpu.dma_semaphore, #tpu.memory_space<semaphore_mem>> -> memref<!tpu.dma_semaphore, #tpu.memory_space<semaphore_mem>>
    tpu.enqueue_indirect_dma source(%dma_start3A_14 : memref<1000000x64xf32, #tpu.memory_space<hbm>>) target(%dma_start3A_8 : memref<128x64xf32, #tpu.memory_space<vmem>>) offsets(%dma_start3A_11 : memref<128xi32, #tpu.memory_space<vmem>>) semaphore(%dma_start3A_16 : memref<!tpu.dma_semaphore, #tpu.memory_space<semaphore_mem>>)
    %dma_start3A_17 = arith.constant 0 : i32
    %dma_start3A_18 = arith.constant 0 : i32
    %dma_start3A_19 = arith.constant 0 : i32
    %dma_start3A_20 = arith.constant 0 : i32
    %dma_start3A_21 = arith.constant 0 : i32
    %dma_start3A_22 = tpu.memref_slice %arg7[%dma_start3A_18, %dma_start3A_20, %dma_start3A_21] : memref<4x72x64xf32, #tpu.memory_space<vmem>> -> memref<1x72x64xf32, #tpu.memory_space<vmem>>
    %dma_start3A_23 = tpu.memref_squeeze %dma_start3A_22 : memref<1x72x64xf32, #tpu.memory_space<vmem>> -> memref<72x64xf32, #tpu.memory_space<vmem>>
    %dma_start3A_24 = arith.constant 128 : i32
    %dma_start3A_25 = tpu.memref_slice %arg5[%dma_start3A_17, %dma_start3A_24] : memref<128x200xi32, #tpu.memory_space<vmem>> -> memref<1x72xi32, #tpu.memory_space<vmem>>
    %dma_start3A_26 = tpu.memref_squeeze %dma_start3A_25 : memref<1x72xi32, #tpu.memory_space<vmem>> -> memref<72xi32, #tpu.memory_space<vmem>>
    %dma_start3A_27 = arith.constant 0 : i32
    %dma_start3A_28 = arith.constant 0 : i32
    %dma_start3A_29 = tpu.memref_slice %arg3[%dma_start3A_27, %dma_start3A_28] : memref<1000000x64xf32, #tpu.memory_space<hbm>> -> memref<1000000x64xf32, #tpu.memory_space<hbm>>
    %dma_start3A_30 = tpu.memref_slice %arg8[%dma_start3A_19] : memref<4x!tpu.dma_semaphore, #tpu.memory_space<semaphore_mem>> -> memref<1x!tpu.dma_semaphore, #tpu.memory_space<semaphore_mem>>
    %dma_start3A_31 = tpu.memref_squeeze %dma_start3A_30 : memref<1x!tpu.dma_semaphore, #tpu.memory_space<semaphore_mem>> -> memref<!tpu.dma_semaphore, #tpu.memory_space<semaphore_mem>>
    tpu.enqueue_indirect_dma source(%dma_start3A_29 : memref<1000000x64xf32, #tpu.memory_space<hbm>>) target(%dma_start3A_23 : memref<72x64xf32, #tpu.memory_space<vmem>>) offsets(%dma_start3A_26 : memref<72xi32, #tpu.memory_space<vmem>>) semaphore(%dma_start3A_31 : memref<!tpu.dma_semaphore, #tpu.memory_space<semaphore_mem>>)
    %dma_start3A_32 = arith.constant 1 : i32
    %dma_start3A_33 = arith.constant 1 : i32
    %dma_start3A_34 = arith.constant 1 : i32
    %dma_start3A_35 = arith.constant 0 : i32
    %dma_start3A_36 = arith.constant 0 : i32
    %dma_start3A_37 = tpu.memref_slice %arg6[%dma_start3A_33, %dma_start3A_35, %dma_start3A_36] : memref<4x128x64xf32, #tpu.memory_space<vmem>> -> memref<1x128x64xf32, #tpu.memory_space<vmem>>
    %dma_start3A_38 = tpu.memref_squeeze %dma_start3A_37 : memref<1x128x64xf32, #tpu.memory_space<vmem>> -> memref<128x64xf32, #tpu.memory_space<vmem>>
    %dma_start3A_39 = arith.constant 0 : i32
    %dma_start3A_40 = tpu.memref_slice %arg5[%dma_start3A_32, %dma_start3A_39] : memref<128x200xi32, #tpu.memory_space<vmem>> -> memref<1x128xi32, #tpu.memory_space<vmem>>
    %dma_start3A_41 = tpu.memref_squeeze %dma_start3A_40 : memref<1x128xi32, #tpu.memory_space<vmem>> -> memref<128xi32, #tpu.memory_space<vmem>>
    %dma_start3A_42 = arith.constant 0 : i32
    %dma_start3A_43 = arith.constant 0 : i32
    %dma_start3A_44 = tpu.memref_slice %arg3[%dma_start3A_42, %dma_start3A_43] : memref<1000000x64xf32, #tpu.memory_space<hbm>> -> memref<1000000x64xf32, #tpu.memory_space<hbm>>
    %dma_start3A_45 = tpu.memref_slice %arg8[%dma_start3A_34] : memref<4x!tpu.dma_semaphore, #tpu.memory_space<semaphore_mem>> -> memref<1x!tpu.dma_semaphore, #tpu.memory_space<semaphore_mem>>
    %dma_start3A_46 = tpu.memref_squeeze %dma_start3A_45 : memref<1x!tpu.dma_semaphore, #tpu.memory_space<semaphore_mem>> -> memref<!tpu.dma_semaphore, #tpu.memory_space<semaphore_mem>>
    tpu.enqueue_indirect_dma source(%dma_start3A_44 : memref<1000000x64xf32, #tpu.memory_space<hbm>>) target(%dma_start3A_38 : memref<128x64xf32, #tpu.memory_space<vmem>>) offsets(%dma_start3A_41 : memref<128xi32, #tpu.memory_space<vmem>>) semaphore(%dma_start3A_46 : memref<!tpu.dma_semaphore, #tpu.memory_space<semaphore_mem>>)
    %dma_start3A_47 = arith.constant 1 : i32
    %dma_start3A_48 = arith.constant 1 : i32
    %dma_start3A_49 = arith.constant 1 : i32
    %dma_start3A_50 = arith.constant 0 : i32
    %dma_start3A_51 = arith.constant 0 : i32
    %dma_start3A_52 = tpu.memref_slice %arg7[%dma_start3A_48, %dma_start3A_50, %dma_start3A_51] : memref<4x72x64xf32, #tpu.memory_space<vmem>> -> memref<1x72x64xf32, #tpu.memory_space<vmem>>
    %dma_start3A_53 = tpu.memref_squeeze %dma_start3A_52 : memref<1x72x64xf32, #tpu.memory_space<vmem>> -> memref<72x64xf32, #tpu.memory_space<vmem>>
    %dma_start3A_54 = arith.constant 128 : i32
    %dma_start3A_55 = tpu.memref_slice %arg5[%dma_start3A_47, %dma_start3A_54] : memref<128x200xi32, #tpu.memory_space<vmem>> -> memref<1x72xi32, #tpu.memory_space<vmem>>
    %dma_start3A_56 = tpu.memref_squeeze %dma_start3A_55 : memref<1x72xi32, #tpu.memory_space<vmem>> -> memref<72xi32, #tpu.memory_space<vmem>>
    %dma_start3A_57 = arith.constant 0 : i32
    %dma_start3A_58 = arith.constant 0 : i32
    %dma_start3A_59 = tpu.memref_slice %arg3[%dma_start3A_57, %dma_start3A_58] : memref<1000000x64xf32, #tpu.memory_space<hbm>> -> memref<1000000x64xf32, #tpu.memory_space<hbm>>
    %dma_start3A_60 = tpu.memref_slice %arg8[%dma_start3A_49] : memref<4x!tpu.dma_semaphore, #tpu.memory_space<semaphore_mem>> -> memref<1x!tpu.dma_semaphore, #tpu.memory_space<semaphore_mem>>
    %dma_start3A_61 = tpu.memref_squeeze %dma_start3A_60 : memref<1x!tpu.dma_semaphore, #tpu.memory_space<semaphore_mem>> -> memref<!tpu.dma_semaphore, #tpu.memory_space<semaphore_mem>>
    tpu.enqueue_indirect_dma source(%dma_start3A_59 : memref<1000000x64xf32, #tpu.memory_space<hbm>>) target(%dma_start3A_53 : memref<72x64xf32, #tpu.memory_space<vmem>>) offsets(%dma_start3A_56 : memref<72xi32, #tpu.memory_space<vmem>>) semaphore(%dma_start3A_61 : memref<!tpu.dma_semaphore, #tpu.memory_space<semaphore_mem>>)
    %dma_wait3A = arith.constant 0 : i32
    %dma_wait3A_62 = arith.constant 0 : i32
    %dma_wait3A_63 = arith.constant 0 : i32
    %dma_wait3A_64 = arith.constant 0 : i32
    %dma_wait3A_65 = arith.constant 0 : i32
    %dma_wait3A_66 = tpu.memref_slice %arg6[%dma_wait3A_62, %dma_wait3A_64, %dma_wait3A_65] : memref<4x128x64xf32, #tpu.memory_space<vmem>> -> memref<1x128x64xf32, #tpu.memory_space<vmem>>
    %dma_wait3A_67 = tpu.memref_squeeze %dma_wait3A_66 : memref<1x128x64xf32, #tpu.memory_space<vmem>> -> memref<128x64xf32, #tpu.memory_space<vmem>>
    %dma_wait3A_68 = arith.constant 0 : i32
    %dma_wait3A_69 = tpu.memref_slice %arg5[%dma_wait3A, %dma_wait3A_68] : memref<128x200xi32, #tpu.memory_space<vmem>> -> memref<1x128xi32, #tpu.memory_space<vmem>>
    %dma_wait3A_70 = tpu.memref_squeeze %dma_wait3A_69 : memref<1x128xi32, #tpu.memory_space<vmem>> -> memref<128xi32, #tpu.memory_space<vmem>>
    %dma_wait3A_71 = arith.constant 0 : i32
    %dma_wait3A_72 = arith.constant 0 : i32
    %dma_wait3A_73 = tpu.memref_slice %arg3[%dma_wait3A_71, %dma_wait3A_72] : memref<1000000x64xf32, #tpu.memory_space<hbm>> -> memref<1000000x64xf32, #tpu.memory_space<hbm>>
    %dma_wait3A_74 = tpu.memref_slice %arg8[%dma_wait3A_63] : memref<4x!tpu.dma_semaphore, #tpu.memory_space<semaphore_mem>> -> memref<1x!tpu.dma_semaphore, #tpu.memory_space<semaphore_mem>>
    %dma_wait3A_75 = tpu.memref_squeeze %dma_wait3A_74 : memref<1x!tpu.dma_semaphore, #tpu.memory_space<semaphore_mem>> -> memref<!tpu.dma_semaphore, #tpu.memory_space<semaphore_mem>>
    tpu.wait_indirect_dma semaphore(%dma_wait3A_75 : memref<!tpu.dma_semaphore, #tpu.memory_space<semaphore_mem>>) src(%dma_wait3A_73 : memref<1000000x64xf32, #tpu.memory_space<hbm>>) dst(%dma_wait3A_67 : memref<128x64xf32, #tpu.memory_space<vmem>>)
    %dma_wait3A_76 = arith.constant 0 : i32
    %dma_wait3A_77 = arith.constant 0 : i32
    %dma_wait3A_78 = arith.constant 0 : i32
    %dma_wait3A_79 = arith.constant 0 : i32
    %dma_wait3A_80 = arith.constant 0 : i32
    %dma_wait3A_81 = tpu.memref_slice %arg7[%dma_wait3A_77, %dma_wait3A_79, %dma_wait3A_80] : memref<4x72x64xf32, #tpu.memory_space<vmem>> -> memref<1x72x64xf32, #tpu.memory_space<vmem>>
    %dma_wait3A_82 = tpu.memref_squeeze %dma_wait3A_81 : memref<1x72x64xf32, #tpu.memory_space<vmem>> -> memref<72x64xf32, #tpu.memory_space<vmem>>
    %dma_wait3A_83 = arith.constant 128 : i32
    %dma_wait3A_84 = tpu.memref_slice %arg5[%dma_wait3A_76, %dma_wait3A_83] : memref<128x200xi32, #tpu.memory_space<vmem>> -> memref<1x72xi32, #tpu.memory_space<vmem>>
    %dma_wait3A_85 = tpu.memref_squeeze %dma_wait3A_84 : memref<1x72xi32, #tpu.memory_space<vmem>> -> memref<72xi32, #tpu.memory_space<vmem>>
    %dma_wait3A_86 = arith.constant 0 : i32
    %dma_wait3A_87 = arith.constant 0 : i32
    %dma_wait3A_88 = tpu.memref_slice %arg3[%dma_wait3A_86, %dma_wait3A_87] : memref<1000000x64xf32, #tpu.memory_space<hbm>> -> memref<1000000x64xf32, #tpu.memory_space<hbm>>
    %dma_wait3A_89 = tpu.memref_slice %arg8[%dma_wait3A_78] : memref<4x!tpu.dma_semaphore, #tpu.memory_space<semaphore_mem>> -> memref<1x!tpu.dma_semaphore, #tpu.memory_space<semaphore_mem>>
    %dma_wait3A_90 = tpu.memref_squeeze %dma_wait3A_89 : memref<1x!tpu.dma_semaphore, #tpu.memory_space<semaphore_mem>> -> memref<!tpu.dma_semaphore, #tpu.memory_space<semaphore_mem>>
    tpu.wait_indirect_dma semaphore(%dma_wait3A_90 : memref<!tpu.dma_semaphore, #tpu.memory_space<semaphore_mem>>) src(%dma_wait3A_88 : memref<1000000x64xf32, #tpu.memory_space<hbm>>) dst(%dma_wait3A_82 : memref<72x64xf32, #tpu.memory_space<vmem>>)
    %add3A_91 = arith.constant 0 : i32
    %add3A_92 = arith.addi %mul3A_2, %add3A_91 : i32
    %mul3A_93 = arith.constant 200 : i32
    %mul3A_94 = arith.muli %add3A_92, %mul3A_93 : i32
    %add3A_95 = arith.constant 0 : i32
    %add3A_96 = arith.addi %mul3A_94, %add3A_95 : i32
    %dma_start3A_97 = arith.constant 0 : i32
    %dma_start3A_98 = arith.constant 0 : i32
    %dma_start3A_99 = arith.constant 0 : i32
    %dma_start3A_100 = arith.constant 0 : i32
    %dma_start3A_101 = tpu.memref_slice %arg6[%dma_start3A_97, %dma_start3A_99, %dma_start3A_100] : memref<4x128x64xf32, #tpu.memory_space<vmem>> -> memref<1x128x64xf32, #tpu.memory_space<vmem>>
    %dma_start3A_102 = tpu.memref_squeeze %dma_start3A_101 : memref<1x128x64xf32, #tpu.memory_space<vmem>> -> memref<128x64xf32, #tpu.memory_space<vmem>>
    %dma_start3A_103 = arith.constant 0 : i32
    %dma_start3A_104 = tpu.memref_slice %arg4[%add3A_96, %dma_start3A_103] : memref<819200x128xf32, #tpu.memory_space<hbm>> -> memref<128x64xf32, #tpu.memory_space<hbm>>
    %dma_start3A_105 = tpu.memref_slice %arg9[%dma_start3A_98] : memref<4x!tpu.dma_semaphore, #tpu.memory_space<semaphore_mem>> -> memref<1x!tpu.dma_semaphore, #tpu.memory_space<semaphore_mem>>
    %dma_start3A_106 = tpu.memref_squeeze %dma_start3A_105 : memref<1x!tpu.dma_semaphore, #tpu.memory_space<semaphore_mem>> -> memref<!tpu.dma_semaphore, #tpu.memory_space<semaphore_mem>>
    %dma_start3A_107 = arith.constant 0 : i32
    %dma_start3A_108 = tpu.memref_slice %arg4[%add3A_96, %dma_start3A_107] : memref<819200x128xf32, #tpu.memory_space<hbm>> -> memref<128x64xf32, #tpu.memory_space<hbm>>
    %dma_start3A_109 = arith.constant 0 : i32
    %dma_start3A_110 = arith.constant 0 : i32
    %dma_start3A_111 = tpu.memref_slice %arg6[%dma_start3A_97, %dma_start3A_109, %dma_start3A_110] : memref<4x128x64xf32, #tpu.memory_space<vmem>> -> memref<1x128x64xf32, #tpu.memory_space<vmem>>
    %dma_start3A_112 = tpu.memref_squeeze %dma_start3A_111 : memref<1x128x64xf32, #tpu.memory_space<vmem>> -> memref<128x64xf32, #tpu.memory_space<vmem>>
    tpu.enqueue_dma source(%dma_start3A_112 : memref<128x64xf32, #tpu.memory_space<vmem>>) target(%dma_start3A_108 : memref<128x64xf32, #tpu.memory_space<hbm>>) target_semaphore(%dma_start3A_106 : memref<!tpu.dma_semaphore, #tpu.memory_space<semaphore_mem>>)
    %add3A_113 = arith.constant 0 : i32
    %add3A_114 = arith.addi %mul3A_2, %add3A_113 : i32
    %mul3A_115 = arith.constant 200 : i32
    %mul3A_116 = arith.muli %add3A_114, %mul3A_115 : i32
    %add3A_117 = arith.constant 128 : i32
    %add3A_118 = arith.addi %mul3A_116, %add3A_117 : i32
    %dma_start3A_119 = arith.constant 0 : i32
    %dma_start3A_120 = arith.constant 0 : i32
    %dma_start3A_121 = arith.constant 0 : i32
    %dma_start3A_122 = arith.constant 0 : i32
    %dma_start3A_123 = tpu.memref_slice %arg7[%dma_start3A_119, %dma_start3A_121, %dma_start3A_122] : memref<4x72x64xf32, #tpu.memory_space<vmem>> -> memref<1x72x64xf32, #tpu.memory_space<vmem>>
    %dma_start3A_124 = tpu.memref_squeeze %dma_start3A_123 : memref<1x72x64xf32, #tpu.memory_space<vmem>> -> memref<72x64xf32, #tpu.memory_space<vmem>>
    %dma_start3A_125 = arith.constant 0 : i32
    %dma_start3A_126 = tpu.memref_slice %arg4[%add3A_118, %dma_start3A_125] : memref<819200x128xf32, #tpu.memory_space<hbm>> -> memref<72x64xf32, #tpu.memory_space<hbm>>
    %dma_start3A_127 = tpu.memref_slice %arg9[%dma_start3A_120] : memref<4x!tpu.dma_semaphore, #tpu.memory_space<semaphore_mem>> -> memref<1x!tpu.dma_semaphore, #tpu.memory_space<semaphore_mem>>
    %dma_start3A_128 = tpu.memref_squeeze %dma_start3A_127 : memref<1x!tpu.dma_semaphore, #tpu.memory_space<semaphore_mem>> -> memref<!tpu.dma_semaphore, #tpu.memory_space<semaphore_mem>>
    %dma_start3A_129 = arith.constant 0 : i32
    %dma_start3A_130 = tpu.memref_slice %arg4[%add3A_118, %dma_start3A_129] : memref<819200x128xf32, #tpu.memory_space<hbm>> -> memref<72x64xf32, #tpu.memory_space<hbm>>
    %dma_start3A_131 = arith.constant 0 : i32
    %dma_start3A_132 = arith.constant 0 : i32
    %dma_start3A_133 = tpu.memref_slice %arg7[%dma_start3A_119, %dma_start3A_131, %dma_start3A_132] : memref<4x72x64xf32, #tpu.memory_space<vmem>> -> memref<1x72x64xf32, #tpu.memory_space<vmem>>
    %dma_start3A_134 = tpu.memref_squeeze %dma_start3A_133 : memref<1x72x64xf32, #tpu.memory_space<vmem>> -> memref<72x64xf32, #tpu.memory_space<vmem>>
    tpu.enqueue_dma source(%dma_start3A_134 : memref<72x64xf32, #tpu.memory_space<vmem>>) target(%dma_start3A_130 : memref<72x64xf32, #tpu.memory_space<hbm>>) target_semaphore(%dma_start3A_128 : memref<!tpu.dma_semaphore, #tpu.memory_space<semaphore_mem>>)
    %dma_start3A_135 = arith.constant 2 : i32
    %dma_start3A_136 = arith.constant 2 : i32
    %dma_start3A_137 = arith.constant 2 : i32
    %dma_start3A_138 = arith.constant 0 : i32
    %dma_start3A_139 = arith.constant 0 : i32
    %dma_start3A_140 = tpu.memref_slice %arg6[%dma_start3A_136, %dma_start3A_138, %dma_start3A_139] : memref<4x128x64xf32, #tpu.memory_space<vmem>> -> memref<1x128x64xf32, #tpu.memory_space<vmem>>
    %dma_start3A_141 = tpu.memref_squeeze %dma_start3A_140 : memref<1x128x64xf32, #tpu.memory_space<vmem>> -> memref<128x64xf32, #tpu.memory_space<vmem>>
    %dma_start3A_142 = arith.constant 0 : i32
    %dma_start3A_143 = tpu.memref_slice %arg5[%dma_start3A_135, %dma_start3A_142] : memref<128x200xi32, #tpu.memory_space<vmem>> -> memref<1x128xi32, #tpu.memory_space<vmem>>
    %dma_start3A_144 = tpu.memref_squeeze %dma_start3A_143 : memref<1x128xi32, #tpu.memory_space<vmem>> -> memref<128xi32, #tpu.memory_space<vmem>>
    %dma_start3A_145 = arith.constant 0 : i32
    %dma_start3A_146 = arith.constant 0 : i32
    %dma_start3A_147 = tpu.memref_slice %arg3[%dma_start3A_145, %dma_start3A_146] : memref<1000000x64xf32, #tpu.memory_space<hbm>> -> memref<1000000x64xf32, #tpu.memory_space<hbm>>
    %dma_start3A_148 = tpu.memref_slice %arg8[%dma_start3A_137] : memref<4x!tpu.dma_semaphore, #tpu.memory_space<semaphore_mem>> -> memref<1x!tpu.dma_semaphore, #tpu.memory_space<semaphore_mem>>
    %dma_start3A_149 = tpu.memref_squeeze %dma_start3A_148 : memref<1x!tpu.dma_semaphore, #tpu.memory_space<semaphore_mem>> -> memref<!tpu.dma_semaphore, #tpu.memory_space<semaphore_mem>>
    tpu.enqueue_indirect_dma source(%dma_start3A_147 : memref<1000000x64xf32, #tpu.memory_space<hbm>>) target(%dma_start3A_141 : memref<128x64xf32, #tpu.memory_space<vmem>>) offsets(%dma_start3A_144 : memref<128xi32, #tpu.memory_space<vmem>>) semaphore(%dma_start3A_149 : memref<!tpu.dma_semaphore, #tpu.memory_space<semaphore_mem>>)
    %dma_start3A_150 = arith.constant 2 : i32
    %dma_start3A_151 = arith.constant 2 : i32
    %dma_start3A_152 = arith.constant 2 : i32
    %dma_start3A_153 = arith.constant 0 : i32
    %dma_start3A_154 = arith.constant 0 : i32
    %dma_start3A_155 = tpu.memref_slice %arg7[%dma_start3A_151, %dma_start3A_153, %dma_start3A_154] : memref<4x72x64xf32, #tpu.memory_space<vmem>> -> memref<1x72x64xf32, #tpu.memory_space<vmem>>
    %dma_start3A_156 = tpu.memref_squeeze %dma_start3A_155 : memref<1x72x64xf32, #tpu.memory_space<vmem>> -> memref<72x64xf32, #tpu.memory_space<vmem>>
    %dma_start3A_157 = arith.constant 128 : i32
    %dma_start3A_158 = tpu.memref_slice %arg5[%dma_start3A_150, %dma_start3A_157] : memref<128x200xi32, #tpu.memory_space<vmem>> -> memref<1x72xi32, #tpu.memory_space<vmem>>
    %dma_start3A_159 = tpu.memref_squeeze %dma_start3A_158 : memref<1x72xi32, #tpu.memory_space<vmem>> -> memref<72xi32, #tpu.memory_space<vmem>>
    %dma_start3A_160 = arith.constant 0 : i32
    %dma_start3A_161 = arith.constant 0 : i32
    %dma_start3A_162 = tpu.memref_slice %arg3[%dma_start3A_160, %dma_start3A_161] : memref<1000000x64xf32, #tpu.memory_space<hbm>> -> memref<1000000x64xf32, #tpu.memory_space<hbm>>
    %dma_start3A_163 = tpu.memref_slice %arg8[%dma_start3A_152] : memref<4x!tpu.dma_semaphore, #tpu.memory_space<semaphore_mem>> -> memref<1x!tpu.dma_semaphore, #tpu.memory_space<semaphore_mem>>
    %dma_start3A_164 = tpu.memref_squeeze %dma_start3A_163 : memref<1x!tpu.dma_semaphore, #tpu.memory_space<semaphore_mem>> -> memref<!tpu.dma_semaphore, #tpu.memory_space<semaphore_mem>>
    tpu.enqueue_indirect_dma source(%dma_start3A_162 : memref<1000000x64xf32, #tpu.memory_space<hbm>>) target(%dma_start3A_156 : memref<72x64xf32, #tpu.memory_space<vmem>>) offsets(%dma_start3A_159 : memref<72xi32, #tpu.memory_space<vmem>>) semaphore(%dma_start3A_164 : memref<!tpu.dma_semaphore, #tpu.memory_space<semaphore_mem>>)
    %dma_wait3A_165 = arith.constant 1 : i32
    %dma_wait3A_166 = arith.constant 1 : i32
    %dma_wait3A_167 = arith.constant 1 : i32
    %dma_wait3A_168 = arith.constant 0 : i32
    %dma_wait3A_169 = arith.constant 0 : i32
    %dma_wait3A_170 = tpu.memref_slice %arg6[%dma_wait3A_166, %dma_wait3A_168, %dma_wait3A_169] : memref<4x128x64xf32, #tpu.memory_space<vmem>> -> memref<1x128x64xf32, #tpu.memory_space<vmem>>
    %dma_wait3A_171 = tpu.memref_squeeze %dma_wait3A_170 : memref<1x128x64xf32, #tpu.memory_space<vmem>> -> memref<128x64xf32, #tpu.memory_space<vmem>>
    %dma_wait3A_172 = arith.constant 0 : i32
    %dma_wait3A_173 = tpu.memref_slice %arg5[%dma_wait3A_165, %dma_wait3A_172] : memref<128x200xi32, #tpu.memory_space<vmem>> -> memref<1x128xi32, #tpu.memory_space<vmem>>
    %dma_wait3A_174 = tpu.memref_squeeze %dma_wait3A_173 : memref<1x128xi32, #tpu.memory_space<vmem>> -> memref<128xi32, #tpu.memory_space<vmem>>
    %dma_wait3A_175 = arith.constant 0 : i32
    %dma_wait3A_176 = arith.constant 0 : i32
    %dma_wait3A_177 = tpu.memref_slice %arg3[%dma_wait3A_175, %dma_wait3A_176] : memref<1000000x64xf32, #tpu.memory_space<hbm>> -> memref<1000000x64xf32, #tpu.memory_space<hbm>>
    %dma_wait3A_178 = tpu.memref_slice %arg8[%dma_wait3A_167] : memref<4x!tpu.dma_semaphore, #tpu.memory_space<semaphore_mem>> -> memref<1x!tpu.dma_semaphore, #tpu.memory_space<semaphore_mem>>
    %dma_wait3A_179 = tpu.memref_squeeze %dma_wait3A_178 : memref<1x!tpu.dma_semaphore, #tpu.memory_space<semaphore_mem>> -> memref<!tpu.dma_semaphore, #tpu.memory_space<semaphore_mem>>
    tpu.wait_indirect_dma semaphore(%dma_wait3A_179 : memref<!tpu.dma_semaphore, #tpu.memory_space<semaphore_mem>>) src(%dma_wait3A_177 : memref<1000000x64xf32, #tpu.memory_space<hbm>>) dst(%dma_wait3A_171 : memref<128x64xf32, #tpu.memory_space<vmem>>)
    %dma_wait3A_180 = arith.constant 1 : i32
    %dma_wait3A_181 = arith.constant 1 : i32
    %dma_wait3A_182 = arith.constant 1 : i32
    %dma_wait3A_183 = arith.constant 0 : i32
    %dma_wait3A_184 = arith.constant 0 : i32
    %dma_wait3A_185 = tpu.memref_slice %arg7[%dma_wait3A_181, %dma_wait3A_183, %dma_wait3A_184] : memref<4x72x64xf32, #tpu.memory_space<vmem>> -> memref<1x72x64xf32, #tpu.memory_space<vmem>>
    %dma_wait3A_186 = tpu.memref_squeeze %dma_wait3A_185 : memref<1x72x64xf32, #tpu.memory_space<vmem>> -> memref<72x64xf32, #tpu.memory_space<vmem>>
    %dma_wait3A_187 = arith.constant 128 : i32
    %dma_wait3A_188 = tpu.memref_slice %arg5[%dma_wait3A_180, %dma_wait3A_187] : memref<128x200xi32, #tpu.memory_space<vmem>> -> memref<1x72xi32, #tpu.memory_space<vmem>>
    %dma_wait3A_189 = tpu.memref_squeeze %dma_wait3A_188 : memref<1x72xi32, #tpu.memory_space<vmem>> -> memref<72xi32, #tpu.memory_space<vmem>>
    %dma_wait3A_190 = arith.constant 0 : i32
    %dma_wait3A_191 = arith.constant 0 : i32
    %dma_wait3A_192 = tpu.memref_slice %arg3[%dma_wait3A_190, %dma_wait3A_191] : memref<1000000x64xf32, #tpu.memory_space<hbm>> -> memref<1000000x64xf32, #tpu.memory_space<hbm>>
    %dma_wait3A_193 = tpu.memref_slice %arg8[%dma_wait3A_182] : memref<4x!tpu.dma_semaphore, #tpu.memory_space<semaphore_mem>> -> memref<1x!tpu.dma_semaphore, #tpu.memory_space<semaphore_mem>>
    %dma_wait3A_194 = tpu.memref_squeeze %dma_wait3A_193 : memref<1x!tpu.dma_semaphore, #tpu.memory_space<semaphore_mem>> -> memref<!tpu.dma_semaphore, #tpu.memory_space<semaphore_mem>>
    tpu.wait_indirect_dma semaphore(%dma_wait3A_194 : memref<!tpu.dma_semaphore, #tpu.memory_space<semaphore_mem>>) src(%dma_wait3A_192 : memref<1000000x64xf32, #tpu.memory_space<hbm>>) dst(%dma_wait3A_186 : memref<72x64xf32, #tpu.memory_space<vmem>>)
    %add3A_195 = arith.constant 1 : i32
    %add3A_196 = arith.addi %mul3A_2, %add3A_195 : i32
    %mul3A_197 = arith.constant 200 : i32
    %mul3A_198 = arith.muli %add3A_196, %mul3A_197 : i32
    %add3A_199 = arith.constant 0 : i32
    %add3A_200 = arith.addi %mul3A_198, %add3A_199 : i32
    %dma_start3A_201 = arith.constant 1 : i32
    %dma_start3A_202 = arith.constant 1 : i32
    %dma_start3A_203 = arith.constant 0 : i32
    %dma_start3A_204 = arith.constant 0 : i32
    %dma_start3A_205 = tpu.memref_slice %arg6[%dma_start3A_201, %dma_start3A_203, %dma_start3A_204] : memref<4x128x64xf32, #tpu.memory_space<vmem>> -> memref<1x128x64xf32, #tpu.memory_space<vmem>>
    %dma_start3A_206 = tpu.memref_squeeze %dma_start3A_205 : memref<1x128x64xf32, #tpu.memory_space<vmem>> -> memref<128x64xf32, #tpu.memory_space<vmem>>
    %dma_start3A_207 = arith.constant 0 : i32
    %dma_start3A_208 = tpu.memref_slice %arg4[%add3A_200, %dma_start3A_207] : memref<819200x128xf32, #tpu.memory_space<hbm>> -> memref<128x64xf32, #tpu.memory_space<hbm>>
    %dma_start3A_209 = tpu.memref_slice %arg9[%dma_start3A_202] : memref<4x!tpu.dma_semaphore, #tpu.memory_space<semaphore_mem>> -> memref<1x!tpu.dma_semaphore, #tpu.memory_space<semaphore_mem>>
    %dma_start3A_210 = tpu.memref_squeeze %dma_start3A_209 : memref<1x!tpu.dma_semaphore, #tpu.memory_space<semaphore_mem>> -> memref<!tpu.dma_semaphore, #tpu.memory_space<semaphore_mem>>
    %dma_start3A_211 = arith.constant 0 : i32
    %dma_start3A_212 = tpu.memref_slice %arg4[%add3A_200, %dma_start3A_211] : memref<819200x128xf32, #tpu.memory_space<hbm>> -> memref<128x64xf32, #tpu.memory_space<hbm>>
    %dma_start3A_213 = arith.constant 0 : i32
    %dma_start3A_214 = arith.constant 0 : i32
    %dma_start3A_215 = tpu.memref_slice %arg6[%dma_start3A_201, %dma_start3A_213, %dma_start3A_214] : memref<4x128x64xf32, #tpu.memory_space<vmem>> -> memref<1x128x64xf32, #tpu.memory_space<vmem>>
    %dma_start3A_216 = tpu.memref_squeeze %dma_start3A_215 : memref<1x128x64xf32, #tpu.memory_space<vmem>> -> memref<128x64xf32, #tpu.memory_space<vmem>>
    tpu.enqueue_dma source(%dma_start3A_216 : memref<128x64xf32, #tpu.memory_space<vmem>>) target(%dma_start3A_212 : memref<128x64xf32, #tpu.memory_space<hbm>>) target_semaphore(%dma_start3A_210 : memref<!tpu.dma_semaphore, #tpu.memory_space<semaphore_mem>>)
    %add3A_217 = arith.constant 1 : i32
    %add3A_218 = arith.addi %mul3A_2, %add3A_217 : i32
    %mul3A_219 = arith.constant 200 : i32
    %mul3A_220 = arith.muli %add3A_218, %mul3A_219 : i32
    %add3A_221 = arith.constant 128 : i32
    %add3A_222 = arith.addi %mul3A_220, %add3A_221 : i32
    %dma_start3A_223 = arith.constant 1 : i32
    %dma_start3A_224 = arith.constant 1 : i32
    %dma_start3A_225 = arith.constant 0 : i32
    %dma_start3A_226 = arith.constant 0 : i32
    %dma_start3A_227 = tpu.memref_slice %arg7[%dma_start3A_223, %dma_start3A_225, %dma_start3A_226] : memref<4x72x64xf32, #tpu.memory_space<vmem>> -> memref<1x72x64xf32, #tpu.memory_space<vmem>>
    %dma_start3A_228 = tpu.memref_squeeze %dma_start3A_227 : memref<1x72x64xf32, #tpu.memory_space<vmem>> -> memref<72x64xf32, #tpu.memory_space<vmem>>
    %dma_start3A_229 = arith.constant 0 : i32
    %dma_start3A_230 = tpu.memref_slice %arg4[%add3A_222, %dma_start3A_229] : memref<819200x128xf32, #tpu.memory_space<hbm>> -> memref<72x64xf32, #tpu.memory_space<hbm>>
    %dma_start3A_231 = tpu.memref_slice %arg9[%dma_start3A_224] : memref<4x!tpu.dma_semaphore, #tpu.memory_space<semaphore_mem>> -> memref<1x!tpu.dma_semaphore, #tpu.memory_space<semaphore_mem>>
    %dma_start3A_232 = tpu.memref_squeeze %dma_start3A_231 : memref<1x!tpu.dma_semaphore, #tpu.memory_space<semaphore_mem>> -> memref<!tpu.dma_semaphore, #tpu.memory_space<semaphore_mem>>
    %dma_start3A_233 = arith.constant 0 : i32
    %dma_start3A_234 = tpu.memref_slice %arg4[%add3A_222, %dma_start3A_233] : memref<819200x128xf32, #tpu.memory_space<hbm>> -> memref<72x64xf32, #tpu.memory_space<hbm>>
    %dma_start3A_235 = arith.constant 0 : i32
    %dma_start3A_236 = arith.constant 0 : i32
    %dma_start3A_237 = tpu.memref_slice %arg7[%dma_start3A_223, %dma_start3A_235, %dma_start3A_236] : memref<4x72x64xf32, #tpu.memory_space<vmem>> -> memref<1x72x64xf32, #tpu.memory_space<vmem>>
    %dma_start3A_238 = tpu.memref_squeeze %dma_start3A_237 : memref<1x72x64xf32, #tpu.memory_space<vmem>> -> memref<72x64xf32, #tpu.memory_space<vmem>>
    tpu.enqueue_dma source(%dma_start3A_238 : memref<72x64xf32, #tpu.memory_space<vmem>>) target(%dma_start3A_234 : memref<72x64xf32, #tpu.memory_space<hbm>>) target_semaphore(%dma_start3A_232 : memref<!tpu.dma_semaphore, #tpu.memory_space<semaphore_mem>>)
    %dma_start3A_239 = arith.constant 3 : i32
    %dma_start3A_240 = arith.constant 3 : i32
    %dma_start3A_241 = arith.constant 3 : i32
    %dma_start3A_242 = arith.constant 0 : i32
    %dma_start3A_243 = arith.constant 0 : i32
    %dma_start3A_244 = tpu.memref_slice %arg6[%dma_start3A_240, %dma_start3A_242, %dma_start3A_243] : memref<4x128x64xf32, #tpu.memory_space<vmem>> -> memref<1x128x64xf32, #tpu.memory_space<vmem>>
    %dma_start3A_245 = tpu.memref_squeeze %dma_start3A_244 : memref<1x128x64xf32, #tpu.memory_space<vmem>> -> memref<128x64xf32, #tpu.memory_space<vmem>>
    %dma_start3A_246 = arith.constant 0 : i32
    %dma_start3A_247 = tpu.memref_slice %arg5[%dma_start3A_239, %dma_start3A_246] : memref<128x200xi32, #tpu.memory_space<vmem>> -> memref<1x128xi32, #tpu.memory_space<vmem>>
    %dma_start3A_248 = tpu.memref_squeeze %dma_start3A_247 : memref<1x128xi32, #tpu.memory_space<vmem>> -> memref<128xi32, #tpu.memory_space<vmem>>
    %dma_start3A_249 = arith.constant 0 : i32
    %dma_start3A_250 = arith.constant 0 : i32
    %dma_start3A_251 = tpu.memref_slice %arg3[%dma_start3A_249, %dma_start3A_250] : memref<1000000x64xf32, #tpu.memory_space<hbm>> -> memref<1000000x64xf32, #tpu.memory_space<hbm>>
    %dma_start3A_252 = tpu.memref_slice %arg8[%dma_start3A_241] : memref<4x!tpu.dma_semaphore, #tpu.memory_space<semaphore_mem>> -> memref<1x!tpu.dma_semaphore, #tpu.memory_space<semaphore_mem>>
    %dma_start3A_253 = tpu.memref_squeeze %dma_start3A_252 : memref<1x!tpu.dma_semaphore, #tpu.memory_space<semaphore_mem>> -> memref<!tpu.dma_semaphore, #tpu.memory_space<semaphore_mem>>
    tpu.enqueue_indirect_dma source(%dma_start3A_251 : memref<1000000x64xf32, #tpu.memory_space<hbm>>) target(%dma_start3A_245 : memref<128x64xf32, #tpu.memory_space<vmem>>) offsets(%dma_start3A_248 : memref<128xi32, #tpu.memory_space<vmem>>) semaphore(%dma_start3A_253 : memref<!tpu.dma_semaphore, #tpu.memory_space<semaphore_mem>>)
    %dma_start3A_254 = arith.constant 3 : i32
    %dma_start3A_255 = arith.constant 3 : i32
    %dma_start3A_256 = arith.constant 3 : i32
    %dma_start3A_257 = arith.constant 0 : i32
    %dma_start3A_258 = arith.constant 0 : i32
    %dma_start3A_259 = tpu.memref_slice %arg7[%dma_start3A_255, %dma_start3A_257, %dma_start3A_258] : memref<4x72x64xf32, #tpu.memory_space<vmem>> -> memref<1x72x64xf32, #tpu.memory_space<vmem>>
    %dma_start3A_260 = tpu.memref_squeeze %dma_start3A_259 : memref<1x72x64xf32, #tpu.memory_space<vmem>> -> memref<72x64xf32, #tpu.memory_space<vmem>>
    %dma_start3A_261 = arith.constant 128 : i32
    %dma_start3A_262 = tpu.memref_slice %arg5[%dma_start3A_254, %dma_start3A_261] : memref<128x200xi32, #tpu.memory_space<vmem>> -> memref<1x72xi32, #tpu.memory_space<vmem>>
    %dma_start3A_263 = tpu.memref_squeeze %dma_start3A_262 : memref<1x72xi32, #tpu.memory_space<vmem>> -> memref<72xi32, #tpu.memory_space<vmem>>
    %dma_start3A_264 = arith.constant 0 : i32
    %dma_start3A_265 = arith.constant 0 : i32
    %dma_start3A_266 = tpu.memref_slice %arg3[%dma_start3A_264, %dma_start3A_265] : memref<1000000x64xf32, #tpu.memory_space<hbm>> -> memref<1000000x64xf32, #tpu.memory_space<hbm>>
    %dma_start3A_267 = tpu.memref_slice %arg8[%dma_start3A_256] : memref<4x!tpu.dma_semaphore, #tpu.memory_space<semaphore_mem>> -> memref<1x!tpu.dma_semaphore, #tpu.memory_space<semaphore_mem>>
    %dma_start3A_268 = tpu.memref_squeeze %dma_start3A_267 : memref<1x!tpu.dma_semaphore, #tpu.memory_space<semaphore_mem>> -> memref<!tpu.dma_semaphore, #tpu.memory_space<semaphore_mem>>
    tpu.enqueue_indirect_dma source(%dma_start3A_266 : memref<1000000x64xf32, #tpu.memory_space<hbm>>) target(%dma_start3A_260 : memref<72x64xf32, #tpu.memory_space<vmem>>) offsets(%dma_start3A_263 : memref<72xi32, #tpu.memory_space<vmem>>) semaphore(%dma_start3A_268 : memref<!tpu.dma_semaphore, #tpu.memory_space<semaphore_mem>>)
    %scan3A = arith.constant 0 : i32
    %scan3A_269 = arith.constant 31 : i32
    %scan3A_270 = arith.addi %scan3A, %scan3A_269 : i32
    %scan3A_271 = arith.constant 1 : i32
    scf.for %scan3A_597 = %scan3A to %scan3A_270 step %scan3A_271  : i32 {
      %mul3A_598 = arith.constant 1 : i32
      %mul3A_599 = arith.muli %scan3A_597, %mul3A_598 : i32
      %add3A_600 = arith.constant 0 : i32
      %add3A_601 = arith.addi %add3A_600, %mul3A_599 : i32
      %mul3A_602 = arith.constant 4 : i32
      %mul3A_603 = arith.muli %add3A_601, %mul3A_602 : i32
      %add3A_604 = arith.constant 2 : i32
      %add3A_605 = arith.addi %add3A_604, %mul3A_603 : i32
      %add3A_606 = arith.constant 0 : i32
      %add3A_607 = arith.addi %add3A_605, %add3A_606 : i32
      %dma_wait3A_608 = arith.constant 2 : i32
      %dma_wait3A_609 = arith.constant 2 : i32
      %dma_wait3A_610 = arith.constant 0 : i32
      %dma_wait3A_611 = arith.constant 0 : i32
      %dma_wait3A_612 = tpu.memref_slice %arg6[%dma_wait3A_608, %dma_wait3A_610, %dma_wait3A_611] : memref<4x128x64xf32, #tpu.memory_space<vmem>> -> memref<1x128x64xf32, #tpu.memory_space<vmem>>
      %dma_wait3A_613 = tpu.memref_squeeze %dma_wait3A_612 : memref<1x128x64xf32, #tpu.memory_space<vmem>> -> memref<128x64xf32, #tpu.memory_space<vmem>>
      %dma_wait3A_614 = arith.constant 0 : i32
      %dma_wait3A_615 = tpu.memref_slice %arg5[%add3A_607, %dma_wait3A_614] : memref<128x200xi32, #tpu.memory_space<vmem>> -> memref<1x128xi32, #tpu.memory_space<vmem>>
      %dma_wait3A_616 = tpu.memref_squeeze %dma_wait3A_615 : memref<1x128xi32, #tpu.memory_space<vmem>> -> memref<128xi32, #tpu.memory_space<vmem>>
      %dma_wait3A_617 = arith.constant 0 : i32
      %dma_wait3A_618 = arith.constant 0 : i32
      %dma_wait3A_619 = tpu.memref_slice %arg3[%dma_wait3A_617, %dma_wait3A_618] : memref<1000000x64xf32, #tpu.memory_space<hbm>> -> memref<1000000x64xf32, #tpu.memory_space<hbm>>
      %dma_wait3A_620 = tpu.memref_slice %arg8[%dma_wait3A_609] : memref<4x!tpu.dma_semaphore, #tpu.memory_space<semaphore_mem>> -> memref<1x!tpu.dma_semaphore, #tpu.memory_space<semaphore_mem>>
      %dma_wait3A_621 = tpu.memref_squeeze %dma_wait3A_620 : memref<1x!tpu.dma_semaphore, #tpu.memory_space<semaphore_mem>> -> memref<!tpu.dma_semaphore, #tpu.memory_space<semaphore_mem>>
      tpu.wait_indirect_dma semaphore(%dma_wait3A_621 : memref<!tpu.dma_semaphore, #tpu.memory_space<semaphore_mem>>) src(%dma_wait3A_619 : memref<1000000x64xf32, #tpu.memory_space<hbm>>) dst(%dma_wait3A_613 : memref<128x64xf32, #tpu.memory_space<vmem>>)
      %dma_wait3A_622 = arith.constant 2 : i32
      %dma_wait3A_623 = arith.constant 2 : i32
      %dma_wait3A_624 = arith.constant 0 : i32
      %dma_wait3A_625 = arith.constant 0 : i32
      %dma_wait3A_626 = tpu.memref_slice %arg7[%dma_wait3A_622, %dma_wait3A_624, %dma_wait3A_625] : memref<4x72x64xf32, #tpu.memory_space<vmem>> -> memref<1x72x64xf32, #tpu.memory_space<vmem>>
      %dma_wait3A_627 = tpu.memref_squeeze %dma_wait3A_626 : memref<1x72x64xf32, #tpu.memory_space<vmem>> -> memref<72x64xf32, #tpu.memory_space<vmem>>
      %dma_wait3A_628 = arith.constant 128 : i32
      %dma_wait3A_629 = tpu.memref_slice %arg5[%add3A_607, %dma_wait3A_628] : memref<128x200xi32, #tpu.memory_space<vmem>> -> memref<1x72xi32, #tpu.memory_space<vmem>>
      %dma_wait3A_630 = tpu.memref_squeeze %dma_wait3A_629 : memref<1x72xi32, #tpu.memory_space<vmem>> -> memref<72xi32, #tpu.memory_space<vmem>>
      %dma_wait3A_631 = arith.constant 0 : i32
      %dma_wait3A_632 = arith.constant 0 : i32
      %dma_wait3A_633 = tpu.memref_slice %arg3[%dma_wait3A_631, %dma_wait3A_632] : memref<1000000x64xf32, #tpu.memory_space<hbm>> -> memref<1000000x64xf32, #tpu.memory_space<hbm>>
      %dma_wait3A_634 = tpu.memref_slice %arg8[%dma_wait3A_623] : memref<4x!tpu.dma_semaphore, #tpu.memory_space<semaphore_mem>> -> memref<1x!tpu.dma_semaphore, #tpu.memory_space<semaphore_mem>>
      %dma_wait3A_635 = tpu.memref_squeeze %dma_wait3A_634 : memref<1x!tpu.dma_semaphore, #tpu.memory_space<semaphore_mem>> -> memref<!tpu.dma_semaphore, #tpu.memory_space<semaphore_mem>>
      tpu.wait_indirect_dma semaphore(%dma_wait3A_635 : memref<!tpu.dma_semaphore, #tpu.memory_space<semaphore_mem>>) src(%dma_wait3A_633 : memref<1000000x64xf32, #tpu.memory_space<hbm>>) dst(%dma_wait3A_627 : memref<72x64xf32, #tpu.memory_space<vmem>>)
      %add3A_636 = arith.addi %mul3A_2, %add3A_607 : i32
      %mul3A_637 = arith.constant 200 : i32
      %mul3A_638 = arith.muli %add3A_636, %mul3A_637 : i32
      %add3A_639 = arith.constant 0 : i32
      %add3A_640 = arith.addi %mul3A_638, %add3A_639 : i32
      %dma_start3A_641 = arith.constant 2 : i32
      %dma_start3A_642 = arith.constant 2 : i32
      %dma_start3A_643 = arith.constant 0 : i32
      %dma_start3A_644 = arith.constant 0 : i32
      %dma_start3A_645 = tpu.memref_slice %arg6[%dma_start3A_641, %dma_start3A_643, %dma_start3A_644] : memref<4x128x64xf32, #tpu.memory_space<vmem>> -> memref<1x128x64xf32, #tpu.memory_space<vmem>>
      %dma_start3A_646 = tpu.memref_squeeze %dma_start3A_645 : memref<1x128x64xf32, #tpu.memory_space<vmem>> -> memref<128x64xf32, #tpu.memory_space<vmem>>
      %dma_start3A_647 = arith.constant 0 : i32
      %dma_start3A_648 = tpu.memref_slice %arg4[%add3A_640, %dma_start3A_647] : memref<819200x128xf32, #tpu.memory_space<hbm>> -> memref<128x64xf32, #tpu.memory_space<hbm>>
      %dma_start3A_649 = tpu.memref_slice %arg9[%dma_start3A_642] : memref<4x!tpu.dma_semaphore, #tpu.memory_space<semaphore_mem>> -> memref<1x!tpu.dma_semaphore, #tpu.memory_space<semaphore_mem>>
      %dma_start3A_650 = tpu.memref_squeeze %dma_start3A_649 : memref<1x!tpu.dma_semaphore, #tpu.memory_space<semaphore_mem>> -> memref<!tpu.dma_semaphore, #tpu.memory_space<semaphore_mem>>
      %dma_start3A_651 = arith.constant 0 : i32
      %dma_start3A_652 = tpu.memref_slice %arg4[%add3A_640, %dma_start3A_651] : memref<819200x128xf32, #tpu.memory_space<hbm>> -> memref<128x64xf32, #tpu.memory_space<hbm>>
      %dma_start3A_653 = arith.constant 0 : i32
      %dma_start3A_654 = arith.constant 0 : i32
      %dma_start3A_655 = tpu.memref_slice %arg6[%dma_start3A_641, %dma_start3A_653, %dma_start3A_654] : memref<4x128x64xf32, #tpu.memory_space<vmem>> -> memref<1x128x64xf32, #tpu.memory_space<vmem>>
      %dma_start3A_656 = tpu.memref_squeeze %dma_start3A_655 : memref<1x128x64xf32, #tpu.memory_space<vmem>> -> memref<128x64xf32, #tpu.memory_space<vmem>>
      tpu.enqueue_dma source(%dma_start3A_656 : memref<128x64xf32, #tpu.memory_space<vmem>>) target(%dma_start3A_652 : memref<128x64xf32, #tpu.memory_space<hbm>>) target_semaphore(%dma_start3A_650 : memref<!tpu.dma_semaphore, #tpu.memory_space<semaphore_mem>>)
      %add3A_657 = arith.addi %mul3A_2, %add3A_607 : i32
      %mul3A_658 = arith.constant 200 : i32
      %mul3A_659 = arith.muli %add3A_657, %mul3A_658 : i32
      %add3A_660 = arith.constant 128 : i32
      %add3A_661 = arith.addi %mul3A_659, %add3A_660 : i32
      %dma_start3A_662 = arith.constant 2 : i32
      %dma_start3A_663 = arith.constant 2 : i32
      %dma_start3A_664 = arith.constant 0 : i32
      %dma_start3A_665 = arith.constant 0 : i32
      %dma_start3A_666 = tpu.memref_slice %arg7[%dma_start3A_662, %dma_start3A_664, %dma_start3A_665] : memref<4x72x64xf32, #tpu.memory_space<vmem>> -> memref<1x72x64xf32, #tpu.memory_space<vmem>>
      %dma_start3A_667 = tpu.memref_squeeze %dma_start3A_666 : memref<1x72x64xf32, #tpu.memory_space<vmem>> -> memref<72x64xf32, #tpu.memory_space<vmem>>
      %dma_start3A_668 = arith.constant 0 : i32
      %dma_start3A_669 = tpu.memref_slice %arg4[%add3A_661, %dma_start3A_668] : memref<819200x128xf32, #tpu.memory_space<hbm>> -> memref<72x64xf32, #tpu.memory_space<hbm>>
      %dma_start3A_670 = tpu.memref_slice %arg9[%dma_start3A_663] : memref<4x!tpu.dma_semaphore, #tpu.memory_space<semaphore_mem>> -> memref<1x!tpu.dma_semaphore, #tpu.memory_space<semaphore_mem>>
      %dma_start3A_671 = tpu.memref_squeeze %dma_start3A_670 : memref<1x!tpu.dma_semaphore, #tpu.memory_space<semaphore_mem>> -> memref<!tpu.dma_semaphore, #tpu.memory_space<semaphore_mem>>
      %dma_start3A_672 = arith.constant 0 : i32
      %dma_start3A_673 = tpu.memref_slice %arg4[%add3A_661, %dma_start3A_672] : memref<819200x128xf32, #tpu.memory_space<hbm>> -> memref<72x64xf32, #tpu.memory_space<hbm>>
      %dma_start3A_674 = arith.constant 0 : i32
      %dma_start3A_675 = arith.constant 0 : i32
      %dma_start3A_676 = tpu.memref_slice %arg7[%dma_start3A_662, %dma_start3A_674, %dma_start3A_675] : memref<4x72x64xf32, #tpu.memory_space<vmem>> -> memref<1x72x64xf32, #tpu.memory_space<vmem>>
      %dma_start3A_677 = tpu.memref_squeeze %dma_start3A_676 : memref<1x72x64xf32, #tpu.memory_space<vmem>> -> memref<72x64xf32, #tpu.memory_space<vmem>>
      tpu.enqueue_dma source(%dma_start3A_677 : memref<72x64xf32, #tpu.memory_space<vmem>>) target(%dma_start3A_673 : memref<72x64xf32, #tpu.memory_space<hbm>>) target_semaphore(%dma_start3A_671 : memref<!tpu.dma_semaphore, #tpu.memory_space<semaphore_mem>>)
      %sub3A = arith.constant 2 : i32
      %sub3A_678 = arith.subi %add3A_607, %sub3A : i32
      %add3A_679 = arith.addi %mul3A_2, %sub3A_678 : i32
      %mul3A_680 = arith.constant 200 : i32
      %mul3A_681 = arith.muli %add3A_679, %mul3A_680 : i32
      %add3A_682 = arith.constant 0 : i32
      %add3A_683 = arith.addi %mul3A_681, %add3A_682 : i32
      %dma_wait3A_684 = arith.constant 0 : i32
      %dma_wait3A_685 = arith.constant 0 : i32
      %dma_wait3A_686 = arith.constant 0 : i32
      %dma_wait3A_687 = arith.constant 0 : i32
      %dma_wait3A_688 = tpu.memref_slice %arg6[%dma_wait3A_684, %dma_wait3A_686, %dma_wait3A_687] : memref<4x128x64xf32, #tpu.memory_space<vmem>> -> memref<1x128x64xf32, #tpu.memory_space<vmem>>
      %dma_wait3A_689 = tpu.memref_squeeze %dma_wait3A_688 : memref<1x128x64xf32, #tpu.memory_space<vmem>> -> memref<128x64xf32, #tpu.memory_space<vmem>>
      %dma_wait3A_690 = arith.constant 0 : i32
      %dma_wait3A_691 = tpu.memref_slice %arg4[%add3A_683, %dma_wait3A_690] : memref<819200x128xf32, #tpu.memory_space<hbm>> -> memref<128x64xf32, #tpu.memory_space<hbm>>
      %dma_wait3A_692 = tpu.memref_slice %arg9[%dma_wait3A_685] : memref<4x!tpu.dma_semaphore, #tpu.memory_space<semaphore_mem>> -> memref<1x!tpu.dma_semaphore, #tpu.memory_space<semaphore_mem>>
      %dma_wait3A_693 = tpu.memref_squeeze %dma_wait3A_692 : memref<1x!tpu.dma_semaphore, #tpu.memory_space<semaphore_mem>> -> memref<!tpu.dma_semaphore, #tpu.memory_space<semaphore_mem>>
      %dma_wait3A_694 = arith.constant 0 : i32
      %dma_wait3A_695 = tpu.memref_slice %arg4[%add3A_683, %dma_wait3A_694] : memref<819200x128xf32, #tpu.memory_space<hbm>> -> memref<128x64xf32, #tpu.memory_space<hbm>>
      %dma_wait3A_696 = arith.constant 0 : i32
      %dma_wait3A_697 = arith.constant 0 : i32
      %dma_wait3A_698 = tpu.memref_slice %arg6[%dma_wait3A_684, %dma_wait3A_696, %dma_wait3A_697] : memref<4x128x64xf32, #tpu.memory_space<vmem>> -> memref<1x128x64xf32, #tpu.memory_space<vmem>>
      %dma_wait3A_699 = tpu.memref_squeeze %dma_wait3A_698 : memref<1x128x64xf32, #tpu.memory_space<vmem>> -> memref<128x64xf32, #tpu.memory_space<vmem>>
      tpu.wait_dma2 semaphore(%dma_wait3A_693 : memref<!tpu.dma_semaphore, #tpu.memory_space<semaphore_mem>>) src(%dma_wait3A_699 : memref<128x64xf32, #tpu.memory_space<vmem>>) dst(%dma_wait3A_695 : memref<128x64xf32, #tpu.memory_space<hbm>>)
      %add3A_700 = arith.addi %mul3A_2, %sub3A_678 : i32
      %mul3A_701 = arith.constant 200 : i32
      %mul3A_702 = arith.muli %add3A_700, %mul3A_701 : i32
      %add3A_703 = arith.constant 128 : i32
      %add3A_704 = arith.addi %mul3A_702, %add3A_703 : i32
      %dma_wait3A_705 = arith.constant 0 : i32
      %dma_wait3A_706 = arith.constant 0 : i32
      %dma_wait3A_707 = arith.constant 0 : i32
      %dma_wait3A_708 = arith.constant 0 : i32
      %dma_wait3A_709 = tpu.memref_slice %arg7[%dma_wait3A_705, %dma_wait3A_707, %dma_wait3A_708] : memref<4x72x64xf32, #tpu.memory_space<vmem>> -> memref<1x72x64xf32, #tpu.memory_space<vmem>>
      %dma_wait3A_710 = tpu.memref_squeeze %dma_wait3A_709 : memref<1x72x64xf32, #tpu.memory_space<vmem>> -> memref<72x64xf32, #tpu.memory_space<vmem>>
      %dma_wait3A_711 = arith.constant 0 : i32
      %dma_wait3A_712 = tpu.memref_slice %arg4[%add3A_704, %dma_wait3A_711] : memref<819200x128xf32, #tpu.memory_space<hbm>> -> memref<72x64xf32, #tpu.memory_space<hbm>>
      %dma_wait3A_713 = tpu.memref_slice %arg9[%dma_wait3A_706] : memref<4x!tpu.dma_semaphore, #tpu.memory_space<semaphore_mem>> -> memref<1x!tpu.dma_semaphore, #tpu.memory_space<semaphore_mem>>
      %dma_wait3A_714 = tpu.memref_squeeze %dma_wait3A_713 : memref<1x!tpu.dma_semaphore, #tpu.memory_space<semaphore_mem>> -> memref<!tpu.dma_semaphore, #tpu.memory_space<semaphore_mem>>
      %dma_wait3A_715 = arith.constant 0 : i32
      %dma_wait3A_716 = tpu.memref_slice %arg4[%add3A_704, %dma_wait3A_715] : memref<819200x128xf32, #tpu.memory_space<hbm>> -> memref<72x64xf32, #tpu.memory_space<hbm>>
      %dma_wait3A_717 = arith.constant 0 : i32
      %dma_wait3A_718 = arith.constant 0 : i32
      %dma_wait3A_719 = tpu.memref_slice %arg7[%dma_wait3A_705, %dma_wait3A_717, %dma_wait3A_718] : memref<4x72x64xf32, #tpu.memory_space<vmem>> -> memref<1x72x64xf32, #tpu.memory_space<vmem>>
      %dma_wait3A_720 = tpu.memref_squeeze %dma_wait3A_719 : memref<1x72x64xf32, #tpu.memory_space<vmem>> -> memref<72x64xf32, #tpu.memory_space<vmem>>
      tpu.wait_dma2 semaphore(%dma_wait3A_714 : memref<!tpu.dma_semaphore, #tpu.memory_space<semaphore_mem>>) src(%dma_wait3A_720 : memref<72x64xf32, #tpu.memory_space<vmem>>) dst(%dma_wait3A_716 : memref<72x64xf32, #tpu.memory_space<hbm>>)
      %add3A_721 = arith.constant 2 : i32
      %add3A_722 = arith.addi %add3A_607, %add3A_721 : i32
      %dma_start3A_723 = arith.constant 0 : i32
      %dma_start3A_724 = arith.constant 0 : i32
      %dma_start3A_725 = arith.constant 0 : i32
      %dma_start3A_726 = arith.constant 0 : i32
      %dma_start3A_727 = tpu.memref_slice %arg6[%dma_start3A_723, %dma_start3A_725, %dma_start3A_726] : memref<4x128x64xf32, #tpu.memory_space<vmem>> -> memref<1x128x64xf32, #tpu.memory_space<vmem>>
      %dma_start3A_728 = tpu.memref_squeeze %dma_start3A_727 : memref<1x128x64xf32, #tpu.memory_space<vmem>> -> memref<128x64xf32, #tpu.memory_space<vmem>>
      %dma_start3A_729 = arith.constant 0 : i32
      %dma_start3A_730 = tpu.memref_slice %arg5[%add3A_722, %dma_start3A_729] : memref<128x200xi32, #tpu.memory_space<vmem>> -> memref<1x128xi32, #tpu.memory_space<vmem>>
      %dma_start3A_731 = tpu.memref_squeeze %dma_start3A_730 : memref<1x128xi32, #tpu.memory_space<vmem>> -> memref<128xi32, #tpu.memory_space<vmem>>
      %dma_start3A_732 = arith.constant 0 : i32
      %dma_start3A_733 = arith.constant 0 : i32
      %dma_start3A_734 = tpu.memref_slice %arg3[%dma_start3A_732, %dma_start3A_733] : memref<1000000x64xf32, #tpu.memory_space<hbm>> -> memref<1000000x64xf32, #tpu.memory_space<hbm>>
      %dma_start3A_735 = tpu.memref_slice %arg8[%dma_start3A_724] : memref<4x!tpu.dma_semaphore, #tpu.memory_space<semaphore_mem>> -> memref<1x!tpu.dma_semaphore, #tpu.memory_space<semaphore_mem>>
      %dma_start3A_736 = tpu.memref_squeeze %dma_start3A_735 : memref<1x!tpu.dma_semaphore, #tpu.memory_space<semaphore_mem>> -> memref<!tpu.dma_semaphore, #tpu.memory_space<semaphore_mem>>
      tpu.enqueue_indirect_dma source(%dma_start3A_734 : memref<1000000x64xf32, #tpu.memory_space<hbm>>) target(%dma_start3A_728 : memref<128x64xf32, #tpu.memory_space<vmem>>) offsets(%dma_start3A_731 : memref<128xi32, #tpu.memory_space<vmem>>) semaphore(%dma_start3A_736 : memref<!tpu.dma_semaphore, #tpu.memory_space<semaphore_mem>>)
      %dma_start3A_737 = arith.constant 0 : i32
      %dma_start3A_738 = arith.constant 0 : i32
      %dma_start3A_739 = arith.constant 0 : i32
      %dma_start3A_740 = arith.constant 0 : i32
      %dma_start3A_741 = tpu.memref_slice %arg7[%dma_start3A_737, %dma_start3A_739, %dma_start3A_740] : memref<4x72x64xf32, #tpu.memory_space<vmem>> -> memref<1x72x64xf32, #tpu.memory_space<vmem>>
      %dma_start3A_742 = tpu.memref_squeeze %dma_start3A_741 : memref<1x72x64xf32, #tpu.memory_space<vmem>> -> memref<72x64xf32, #tpu.memory_space<vmem>>
      %dma_start3A_743 = arith.constant 128 : i32
      %dma_start3A_744 = tpu.memref_slice %arg5[%add3A_722, %dma_start3A_743] : memref<128x200xi32, #tpu.memory_space<vmem>> -> memref<1x72xi32, #tpu.memory_space<vmem>>
      %dma_start3A_745 = tpu.memref_squeeze %dma_start3A_744 : memref<1x72xi32, #tpu.memory_space<vmem>> -> memref<72xi32, #tpu.memory_space<vmem>>
      %dma_start3A_746 = arith.constant 0 : i32
      %dma_start3A_747 = arith.constant 0 : i32
      %dma_start3A_748 = tpu.memref_slice %arg3[%dma_start3A_746, %dma_start3A_747] : memref<1000000x64xf32, #tpu.memory_space<hbm>> -> memref<1000000x64xf32, #tpu.memory_space<hbm>>
      %dma_start3A_749 = tpu.memref_slice %arg8[%dma_start3A_738] : memref<4x!tpu.dma_semaphore, #tpu.memory_space<semaphore_mem>> -> memref<1x!tpu.dma_semaphore, #tpu.memory_space<semaphore_mem>>
      %dma_start3A_750 = tpu.memref_squeeze %dma_start3A_749 : memref<1x!tpu.dma_semaphore, #tpu.memory_space<semaphore_mem>> -> memref<!tpu.dma_semaphore, #tpu.memory_space<semaphore_mem>>
      tpu.enqueue_indirect_dma source(%dma_start3A_748 : memref<1000000x64xf32, #tpu.memory_space<hbm>>) target(%dma_start3A_742 : memref<72x64xf32, #tpu.memory_space<vmem>>) offsets(%dma_start3A_745 : memref<72xi32, #tpu.memory_space<vmem>>) semaphore(%dma_start3A_750 : memref<!tpu.dma_semaphore, #tpu.memory_space<semaphore_mem>>)
      %add3A_751 = arith.constant 1 : i32
      %add3A_752 = arith.addi %add3A_605, %add3A_751 : i32
      %dma_wait3A_753 = arith.constant 3 : i32
      %dma_wait3A_754 = arith.constant 3 : i32
      %dma_wait3A_755 = arith.constant 0 : i32
      %dma_wait3A_756 = arith.constant 0 : i32
      %dma_wait3A_757 = tpu.memref_slice %arg6[%dma_wait3A_753, %dma_wait3A_755, %dma_wait3A_756] : memref<4x128x64xf32, #tpu.memory_space<vmem>> -> memref<1x128x64xf32, #tpu.memory_space<vmem>>
      %dma_wait3A_758 = tpu.memref_squeeze %dma_wait3A_757 : memref<1x128x64xf32, #tpu.memory_space<vmem>> -> memref<128x64xf32, #tpu.memory_space<vmem>>
      %dma_wait3A_759 = arith.constant 0 : i32
      %dma_wait3A_760 = tpu.memref_slice %arg5[%add3A_752, %dma_wait3A_759] : memref<128x200xi32, #tpu.memory_space<vmem>> -> memref<1x128xi32, #tpu.memory_space<vmem>>
      %dma_wait3A_761 = tpu.memref_squeeze %dma_wait3A_760 : memref<1x128xi32, #tpu.memory_space<vmem>> -> memref<128xi32, #tpu.memory_space<vmem>>
      %dma_wait3A_762 = arith.constant 0 : i32
      %dma_wait3A_763 = arith.constant 0 : i32
      %dma_wait3A_764 = tpu.memref_slice %arg3[%dma_wait3A_762, %dma_wait3A_763] : memref<1000000x64xf32, #tpu.memory_space<hbm>> -> memref<1000000x64xf32, #tpu.memory_space<hbm>>
      %dma_wait3A_765 = tpu.memref_slice %arg8[%dma_wait3A_754] : memref<4x!tpu.dma_semaphore, #tpu.memory_space<semaphore_mem>> -> memref<1x!tpu.dma_semaphore, #tpu.memory_space<semaphore_mem>>
      %dma_wait3A_766 = tpu.memref_squeeze %dma_wait3A_765 : memref<1x!tpu.dma_semaphore, #tpu.memory_space<semaphore_mem>> -> memref<!tpu.dma_semaphore, #tpu.memory_space<semaphore_mem>>
      tpu.wait_indirect_dma semaphore(%dma_wait3A_766 : memref<!tpu.dma_semaphore, #tpu.memory_space<semaphore_mem>>) src(%dma_wait3A_764 : memref<1000000x64xf32, #tpu.memory_space<hbm>>) dst(%dma_wait3A_758 : memref<128x64xf32, #tpu.memory_space<vmem>>)
      %dma_wait3A_767 = arith.constant 3 : i32
      %dma_wait3A_768 = arith.constant 3 : i32
      %dma_wait3A_769 = arith.constant 0 : i32
      %dma_wait3A_770 = arith.constant 0 : i32
      %dma_wait3A_771 = tpu.memref_slice %arg7[%dma_wait3A_767, %dma_wait3A_769, %dma_wait3A_770] : memref<4x72x64xf32, #tpu.memory_space<vmem>> -> memref<1x72x64xf32, #tpu.memory_space<vmem>>
      %dma_wait3A_772 = tpu.memref_squeeze %dma_wait3A_771 : memref<1x72x64xf32, #tpu.memory_space<vmem>> -> memref<72x64xf32, #tpu.memory_space<vmem>>
      %dma_wait3A_773 = arith.constant 128 : i32
      %dma_wait3A_774 = tpu.memref_slice %arg5[%add3A_752, %dma_wait3A_773] : memref<128x200xi32, #tpu.memory_space<vmem>> -> memref<1x72xi32, #tpu.memory_space<vmem>>
      %dma_wait3A_775 = tpu.memref_squeeze %dma_wait3A_774 : memref<1x72xi32, #tpu.memory_space<vmem>> -> memref<72xi32, #tpu.memory_space<vmem>>
      %dma_wait3A_776 = arith.constant 0 : i32
      %dma_wait3A_777 = arith.constant 0 : i32
      %dma_wait3A_778 = tpu.memref_slice %arg3[%dma_wait3A_776, %dma_wait3A_777] : memref<1000000x64xf32, #tpu.memory_space<hbm>> -> memref<1000000x64xf32, #tpu.memory_space<hbm>>
      %dma_wait3A_779 = tpu.memref_slice %arg8[%dma_wait3A_768] : memref<4x!tpu.dma_semaphore, #tpu.memory_space<semaphore_mem>> -> memref<1x!tpu.dma_semaphore, #tpu.memory_space<semaphore_mem>>
      %dma_wait3A_780 = tpu.memref_squeeze %dma_wait3A_779 : memref<1x!tpu.dma_semaphore, #tpu.memory_space<semaphore_mem>> -> memref<!tpu.dma_semaphore, #tpu.memory_space<semaphore_mem>>
      tpu.wait_indirect_dma semaphore(%dma_wait3A_780 : memref<!tpu.dma_semaphore, #tpu.memory_space<semaphore_mem>>) src(%dma_wait3A_778 : memref<1000000x64xf32, #tpu.memory_space<hbm>>) dst(%dma_wait3A_772 : memref<72x64xf32, #tpu.memory_space<vmem>>)
      %add3A_781 = arith.addi %mul3A_2, %add3A_752 : i32
      %mul3A_782 = arith.constant 200 : i32
      %mul3A_783 = arith.muli %add3A_781, %mul3A_782 : i32
      %add3A_784 = arith.constant 0 : i32
      %add3A_785 = arith.addi %mul3A_783, %add3A_784 : i32
      %dma_start3A_786 = arith.constant 3 : i32
      %dma_start3A_787 = arith.constant 3 : i32
      %dma_start3A_788 = arith.constant 0 : i32
      %dma_start3A_789 = arith.constant 0 : i32
      %dma_start3A_790 = tpu.memref_slice %arg6[%dma_start3A_786, %dma_start3A_788, %dma_start3A_789] : memref<4x128x64xf32, #tpu.memory_space<vmem>> -> memref<1x128x64xf32, #tpu.memory_space<vmem>>
      %dma_start3A_791 = tpu.memref_squeeze %dma_start3A_790 : memref<1x128x64xf32, #tpu.memory_space<vmem>> -> memref<128x64xf32, #tpu.memory_space<vmem>>
      %dma_start3A_792 = arith.constant 0 : i32
      %dma_start3A_793 = tpu.memref_slice %arg4[%add3A_785, %dma_start3A_792] : memref<819200x128xf32, #tpu.memory_space<hbm>> -> memref<128x64xf32, #tpu.memory_space<hbm>>
      %dma_start3A_794 = tpu.memref_slice %arg9[%dma_start3A_787] : memref<4x!tpu.dma_semaphore, #tpu.memory_space<semaphore_mem>> -> memref<1x!tpu.dma_semaphore, #tpu.memory_space<semaphore_mem>>
      %dma_start3A_795 = tpu.memref_squeeze %dma_start3A_794 : memref<1x!tpu.dma_semaphore, #tpu.memory_space<semaphore_mem>> -> memref<!tpu.dma_semaphore, #tpu.memory_space<semaphore_mem>>
      %dma_start3A_796 = arith.constant 0 : i32
      %dma_start3A_797 = tpu.memref_slice %arg4[%add3A_785, %dma_start3A_796] : memref<819200x128xf32, #tpu.memory_space<hbm>> -> memref<128x64xf32, #tpu.memory_space<hbm>>
      %dma_start3A_798 = arith.constant 0 : i32
      %dma_start3A_799 = arith.constant 0 : i32
      %dma_start3A_800 = tpu.memref_slice %arg6[%dma_start3A_786, %dma_start3A_798, %dma_start3A_799] : memref<4x128x64xf32, #tpu.memory_space<vmem>> -> memref<1x128x64xf32, #tpu.memory_space<vmem>>
      %dma_start3A_801 = tpu.memref_squeeze %dma_start3A_800 : memref<1x128x64xf32, #tpu.memory_space<vmem>> -> memref<128x64xf32, #tpu.memory_space<vmem>>
      tpu.enqueue_dma source(%dma_start3A_801 : memref<128x64xf32, #tpu.memory_space<vmem>>) target(%dma_start3A_797 : memref<128x64xf32, #tpu.memory_space<hbm>>) target_semaphore(%dma_start3A_795 : memref<!tpu.dma_semaphore, #tpu.memory_space<semaphore_mem>>)
      %add3A_802 = arith.addi %mul3A_2, %add3A_752 : i32
      %mul3A_803 = arith.constant 200 : i32
      %mul3A_804 = arith.muli %add3A_802, %mul3A_803 : i32
      %add3A_805 = arith.constant 128 : i32
      %add3A_806 = arith.addi %mul3A_804, %add3A_805 : i32
      %dma_start3A_807 = arith.constant 3 : i32
      %dma_start3A_808 = arith.constant 3 : i32
      %dma_start3A_809 = arith.constant 0 : i32
      %dma_start3A_810 = arith.constant 0 : i32
      %dma_start3A_811 = tpu.memref_slice %arg7[%dma_start3A_807, %dma_start3A_809, %dma_start3A_810] : memref<4x72x64xf32, #tpu.memory_space<vmem>> -> memref<1x72x64xf32, #tpu.memory_space<vmem>>
      %dma_start3A_812 = tpu.memref_squeeze %dma_start3A_811 : memref<1x72x64xf32, #tpu.memory_space<vmem>> -> memref<72x64xf32, #tpu.memory_space<vmem>>
      %dma_start3A_813 = arith.constant 0 : i32
      %dma_start3A_814 = tpu.memref_slice %arg4[%add3A_806, %dma_start3A_813] : memref<819200x128xf32, #tpu.memory_space<hbm>> -> memref<72x64xf32, #tpu.memory_space<hbm>>
      %dma_start3A_815 = tpu.memref_slice %arg9[%dma_start3A_808] : memref<4x!tpu.dma_semaphore, #tpu.memory_space<semaphore_mem>> -> memref<1x!tpu.dma_semaphore, #tpu.memory_space<semaphore_mem>>
      %dma_start3A_816 = tpu.memref_squeeze %dma_start3A_815 : memref<1x!tpu.dma_semaphore, #tpu.memory_space<semaphore_mem>> -> memref<!tpu.dma_semaphore, #tpu.memory_space<semaphore_mem>>
      %dma_start3A_817 = arith.constant 0 : i32
      %dma_start3A_818 = tpu.memref_slice %arg4[%add3A_806, %dma_start3A_817] : memref<819200x128xf32, #tpu.memory_space<hbm>> -> memref<72x64xf32, #tpu.memory_space<hbm>>
      %dma_start3A_819 = arith.constant 0 : i32
      %dma_start3A_820 = arith.constant 0 : i32
      %dma_start3A_821 = tpu.memref_slice %arg7[%dma_start3A_807, %dma_start3A_819, %dma_start3A_820] : memref<4x72x64xf32, #tpu.memory_space<vmem>> -> memref<1x72x64xf32, #tpu.memory_space<vmem>>
      %dma_start3A_822 = tpu.memref_squeeze %dma_start3A_821 : memref<1x72x64xf32, #tpu.memory_space<vmem>> -> memref<72x64xf32, #tpu.memory_space<vmem>>
      tpu.enqueue_dma source(%dma_start3A_822 : memref<72x64xf32, #tpu.memory_space<vmem>>) target(%dma_start3A_818 : memref<72x64xf32, #tpu.memory_space<hbm>>) target_semaphore(%dma_start3A_816 : memref<!tpu.dma_semaphore, #tpu.memory_space<semaphore_mem>>)
      %sub3A_823 = arith.constant 2 : i32
      %sub3A_824 = arith.subi %add3A_752, %sub3A_823 : i32
      %add3A_825 = arith.addi %mul3A_2, %sub3A_824 : i32
      %mul3A_826 = arith.constant 200 : i32
      %mul3A_827 = arith.muli %add3A_825, %mul3A_826 : i32
      %add3A_828 = arith.constant 0 : i32
      %add3A_829 = arith.addi %mul3A_827, %add3A_828 : i32
      %dma_wait3A_830 = arith.constant 1 : i32
      %dma_wait3A_831 = arith.constant 1 : i32
      %dma_wait3A_832 = arith.constant 0 : i32
      %dma_wait3A_833 = arith.constant 0 : i32
      %dma_wait3A_834 = tpu.memref_slice %arg6[%dma_wait3A_830, %dma_wait3A_832, %dma_wait3A_833] : memref<4x128x64xf32, #tpu.memory_space<vmem>> -> memref<1x128x64xf32, #tpu.memory_space<vmem>>
      %dma_wait3A_835 = tpu.memref_squeeze %dma_wait3A_834 : memref<1x128x64xf32, #tpu.memory_space<vmem>> -> memref<128x64xf32, #tpu.memory_space<vmem>>
      %dma_wait3A_836 = arith.constant 0 : i32
      %dma_wait3A_837 = tpu.memref_slice %arg4[%add3A_829, %dma_wait3A_836] : memref<819200x128xf32, #tpu.memory_space<hbm>> -> memref<128x64xf32, #tpu.memory_space<hbm>>
      %dma_wait3A_838 = tpu.memref_slice %arg9[%dma_wait3A_831] : memref<4x!tpu.dma_semaphore, #tpu.memory_space<semaphore_mem>> -> memref<1x!tpu.dma_semaphore, #tpu.memory_space<semaphore_mem>>
      %dma_wait3A_839 = tpu.memref_squeeze %dma_wait3A_838 : memref<1x!tpu.dma_semaphore, #tpu.memory_space<semaphore_mem>> -> memref<!tpu.dma_semaphore, #tpu.memory_space<semaphore_mem>>
      %dma_wait3A_840 = arith.constant 0 : i32
      %dma_wait3A_841 = tpu.memref_slice %arg4[%add3A_829, %dma_wait3A_840] : memref<819200x128xf32, #tpu.memory_space<hbm>> -> memref<128x64xf32, #tpu.memory_space<hbm>>
      %dma_wait3A_842 = arith.constant 0 : i32
      %dma_wait3A_843 = arith.constant 0 : i32
      %dma_wait3A_844 = tpu.memref_slice %arg6[%dma_wait3A_830, %dma_wait3A_842, %dma_wait3A_843] : memref<4x128x64xf32, #tpu.memory_space<vmem>> -> memref<1x128x64xf32, #tpu.memory_space<vmem>>
      %dma_wait3A_845 = tpu.memref_squeeze %dma_wait3A_844 : memref<1x128x64xf32, #tpu.memory_space<vmem>> -> memref<128x64xf32, #tpu.memory_space<vmem>>
      tpu.wait_dma2 semaphore(%dma_wait3A_839 : memref<!tpu.dma_semaphore, #tpu.memory_space<semaphore_mem>>) src(%dma_wait3A_845 : memref<128x64xf32, #tpu.memory_space<vmem>>) dst(%dma_wait3A_841 : memref<128x64xf32, #tpu.memory_space<hbm>>)
      %add3A_846 = arith.addi %mul3A_2, %sub3A_824 : i32
      %mul3A_847 = arith.constant 200 : i32
      %mul3A_848 = arith.muli %add3A_846, %mul3A_847 : i32
      %add3A_849 = arith.constant 128 : i32
      %add3A_850 = arith.addi %mul3A_848, %add3A_849 : i32
      %dma_wait3A_851 = arith.constant 1 : i32
      %dma_wait3A_852 = arith.constant 1 : i32
      %dma_wait3A_853 = arith.constant 0 : i32
      %dma_wait3A_854 = arith.constant 0 : i32
      %dma_wait3A_855 = tpu.memref_slice %arg7[%dma_wait3A_851, %dma_wait3A_853, %dma_wait3A_854] : memref<4x72x64xf32, #tpu.memory_space<vmem>> -> memref<1x72x64xf32, #tpu.memory_space<vmem>>
      %dma_wait3A_856 = tpu.memref_squeeze %dma_wait3A_855 : memref<1x72x64xf32, #tpu.memory_space<vmem>> -> memref<72x64xf32, #tpu.memory_space<vmem>>
      %dma_wait3A_857 = arith.constant 0 : i32
      %dma_wait3A_858 = tpu.memref_slice %arg4[%add3A_850, %dma_wait3A_857] : memref<819200x128xf32, #tpu.memory_space<hbm>> -> memref<72x64xf32, #tpu.memory_space<hbm>>
      %dma_wait3A_859 = tpu.memref_slice %arg9[%dma_wait3A_852] : memref<4x!tpu.dma_semaphore, #tpu.memory_space<semaphore_mem>> -> memref<1x!tpu.dma_semaphore, #tpu.memory_space<semaphore_mem>>
      %dma_wait3A_860 = tpu.memref_squeeze %dma_wait3A_859 : memref<1x!tpu.dma_semaphore, #tpu.memory_space<semaphore_mem>> -> memref<!tpu.dma_semaphore, #tpu.memory_space<semaphore_mem>>
      %dma_wait3A_861 = arith.constant 0 : i32
      %dma_wait3A_862 = tpu.memref_slice %arg4[%add3A_850, %dma_wait3A_861] : memref<819200x128xf32, #tpu.memory_space<hbm>> -> memref<72x64xf32, #tpu.memory_space<hbm>>
      %dma_wait3A_863 = arith.constant 0 : i32
      %dma_wait3A_864 = arith.constant 0 : i32
      %dma_wait3A_865 = tpu.memref_slice %arg7[%dma_wait3A_851, %dma_wait3A_863, %dma_wait3A_864] : memref<4x72x64xf32, #tpu.memory_space<vmem>> -> memref<1x72x64xf32, #tpu.memory_space<vmem>>
      %dma_wait3A_866 = tpu.memref_squeeze %dma_wait3A_865 : memref<1x72x64xf32, #tpu.memory_space<vmem>> -> memref<72x64xf32, #tpu.memory_space<vmem>>
      tpu.wait_dma2 semaphore(%dma_wait3A_860 : memref<!tpu.dma_semaphore, #tpu.memory_space<semaphore_mem>>) src(%dma_wait3A_866 : memref<72x64xf32, #tpu.memory_space<vmem>>) dst(%dma_wait3A_862 : memref<72x64xf32, #tpu.memory_space<hbm>>)
      %add3A_867 = arith.constant 2 : i32
      %add3A_868 = arith.addi %add3A_752, %add3A_867 : i32
      %dma_start3A_869 = arith.constant 1 : i32
      %dma_start3A_870 = arith.constant 1 : i32
      %dma_start3A_871 = arith.constant 0 : i32
      %dma_start3A_872 = arith.constant 0 : i32
      %dma_start3A_873 = tpu.memref_slice %arg6[%dma_start3A_869, %dma_start3A_871, %dma_start3A_872] : memref<4x128x64xf32, #tpu.memory_space<vmem>> -> memref<1x128x64xf32, #tpu.memory_space<vmem>>
      %dma_start3A_874 = tpu.memref_squeeze %dma_start3A_873 : memref<1x128x64xf32, #tpu.memory_space<vmem>> -> memref<128x64xf32, #tpu.memory_space<vmem>>
      %dma_start3A_875 = arith.constant 0 : i32
      %dma_start3A_876 = tpu.memref_slice %arg5[%add3A_868, %dma_start3A_875] : memref<128x200xi32, #tpu.memory_space<vmem>> -> memref<1x128xi32, #tpu.memory_space<vmem>>
      %dma_start3A_877 = tpu.memref_squeeze %dma_start3A_876 : memref<1x128xi32, #tpu.memory_space<vmem>> -> memref<128xi32, #tpu.memory_space<vmem>>
      %dma_start3A_878 = arith.constant 0 : i32
      %dma_start3A_879 = arith.constant 0 : i32
      %dma_start3A_880 = tpu.memref_slice %arg3[%dma_start3A_878, %dma_start3A_879] : memref<1000000x64xf32, #tpu.memory_space<hbm>> -> memref<1000000x64xf32, #tpu.memory_space<hbm>>
      %dma_start3A_881 = tpu.memref_slice %arg8[%dma_start3A_870] : memref<4x!tpu.dma_semaphore, #tpu.memory_space<semaphore_mem>> -> memref<1x!tpu.dma_semaphore, #tpu.memory_space<semaphore_mem>>
      %dma_start3A_882 = tpu.memref_squeeze %dma_start3A_881 : memref<1x!tpu.dma_semaphore, #tpu.memory_space<semaphore_mem>> -> memref<!tpu.dma_semaphore, #tpu.memory_space<semaphore_mem>>
      tpu.enqueue_indirect_dma source(%dma_start3A_880 : memref<1000000x64xf32, #tpu.memory_space<hbm>>) target(%dma_start3A_874 : memref<128x64xf32, #tpu.memory_space<vmem>>) offsets(%dma_start3A_877 : memref<128xi32, #tpu.memory_space<vmem>>) semaphore(%dma_start3A_882 : memref<!tpu.dma_semaphore, #tpu.memory_space<semaphore_mem>>)
      %dma_start3A_883 = arith.constant 1 : i32
      %dma_start3A_884 = arith.constant 1 : i32
      %dma_start3A_885 = arith.constant 0 : i32
      %dma_start3A_886 = arith.constant 0 : i32
      %dma_start3A_887 = tpu.memref_slice %arg7[%dma_start3A_883, %dma_start3A_885, %dma_start3A_886] : memref<4x72x64xf32, #tpu.memory_space<vmem>> -> memref<1x72x64xf32, #tpu.memory_space<vmem>>
      %dma_start3A_888 = tpu.memref_squeeze %dma_start3A_887 : memref<1x72x64xf32, #tpu.memory_space<vmem>> -> memref<72x64xf32, #tpu.memory_space<vmem>>
      %dma_start3A_889 = arith.constant 128 : i32
      %dma_start3A_890 = tpu.memref_slice %arg5[%add3A_868, %dma_start3A_889] : memref<128x200xi32, #tpu.memory_space<vmem>> -> memref<1x72xi32, #tpu.memory_space<vmem>>
      %dma_start3A_891 = tpu.memref_squeeze %dma_start3A_890 : memref<1x72xi32, #tpu.memory_space<vmem>> -> memref<72xi32, #tpu.memory_space<vmem>>
      %dma_start3A_892 = arith.constant 0 : i32
      %dma_start3A_893 = arith.constant 0 : i32
      %dma_start3A_894 = tpu.memref_slice %arg3[%dma_start3A_892, %dma_start3A_893] : memref<1000000x64xf32, #tpu.memory_space<hbm>> -> memref<1000000x64xf32, #tpu.memory_space<hbm>>
      %dma_start3A_895 = tpu.memref_slice %arg8[%dma_start3A_884] : memref<4x!tpu.dma_semaphore, #tpu.memory_space<semaphore_mem>> -> memref<1x!tpu.dma_semaphore, #tpu.memory_space<semaphore_mem>>
      %dma_start3A_896 = tpu.memref_squeeze %dma_start3A_895 : memref<1x!tpu.dma_semaphore, #tpu.memory_space<semaphore_mem>> -> memref<!tpu.dma_semaphore, #tpu.memory_space<semaphore_mem>>
      tpu.enqueue_indirect_dma source(%dma_start3A_894 : memref<1000000x64xf32, #tpu.memory_space<hbm>>) target(%dma_start3A_888 : memref<72x64xf32, #tpu.memory_space<vmem>>) offsets(%dma_start3A_891 : memref<72xi32, #tpu.memory_space<vmem>>) semaphore(%dma_start3A_896 : memref<!tpu.dma_semaphore, #tpu.memory_space<semaphore_mem>>)
      %add3A_897 = arith.constant 2 : i32
      %add3A_898 = arith.addi %add3A_605, %add3A_897 : i32
      %dma_wait3A_899 = arith.constant 0 : i32
      %dma_wait3A_900 = arith.constant 0 : i32
      %dma_wait3A_901 = arith.constant 0 : i32
      %dma_wait3A_902 = arith.constant 0 : i32
      %dma_wait3A_903 = tpu.memref_slice %arg6[%dma_wait3A_899, %dma_wait3A_901, %dma_wait3A_902] : memref<4x128x64xf32, #tpu.memory_space<vmem>> -> memref<1x128x64xf32, #tpu.memory_space<vmem>>
      %dma_wait3A_904 = tpu.memref_squeeze %dma_wait3A_903 : memref<1x128x64xf32, #tpu.memory_space<vmem>> -> memref<128x64xf32, #tpu.memory_space<vmem>>
      %dma_wait3A_905 = arith.constant 0 : i32
      %dma_wait3A_906 = tpu.memref_slice %arg5[%add3A_898, %dma_wait3A_905] : memref<128x200xi32, #tpu.memory_space<vmem>> -> memref<1x128xi32, #tpu.memory_space<vmem>>
      %dma_wait3A_907 = tpu.memref_squeeze %dma_wait3A_906 : memref<1x128xi32, #tpu.memory_space<vmem>> -> memref<128xi32, #tpu.memory_space<vmem>>
      %dma_wait3A_908 = arith.constant 0 : i32
      %dma_wait3A_909 = arith.constant 0 : i32
      %dma_wait3A_910 = tpu.memref_slice %arg3[%dma_wait3A_908, %dma_wait3A_909] : memref<1000000x64xf32, #tpu.memory_space<hbm>> -> memref<1000000x64xf32, #tpu.memory_space<hbm>>
      %dma_wait3A_911 = tpu.memref_slice %arg8[%dma_wait3A_900] : memref<4x!tpu.dma_semaphore, #tpu.memory_space<semaphore_mem>> -> memref<1x!tpu.dma_semaphore, #tpu.memory_space<semaphore_mem>>
      %dma_wait3A_912 = tpu.memref_squeeze %dma_wait3A_911 : memref<1x!tpu.dma_semaphore, #tpu.memory_space<semaphore_mem>> -> memref<!tpu.dma_semaphore, #tpu.memory_space<semaphore_mem>>
      tpu.wait_indirect_dma semaphore(%dma_wait3A_912 : memref<!tpu.dma_semaphore, #tpu.memory_space<semaphore_mem>>) src(%dma_wait3A_910 : memref<1000000x64xf32, #tpu.memory_space<hbm>>) dst(%dma_wait3A_904 : memref<128x64xf32, #tpu.memory_space<vmem>>)
      %dma_wait3A_913 = arith.constant 0 : i32
      %dma_wait3A_914 = arith.constant 0 : i32
      %dma_wait3A_915 = arith.constant 0 : i32
      %dma_wait3A_916 = arith.constant 0 : i32
      %dma_wait3A_917 = tpu.memref_slice %arg7[%dma_wait3A_913, %dma_wait3A_915, %dma_wait3A_916] : memref<4x72x64xf32, #tpu.memory_space<vmem>> -> memref<1x72x64xf32, #tpu.memory_space<vmem>>
      %dma_wait3A_918 = tpu.memref_squeeze %dma_wait3A_917 : memref<1x72x64xf32, #tpu.memory_space<vmem>> -> memref<72x64xf32, #tpu.memory_space<vmem>>
      %dma_wait3A_919 = arith.constant 128 : i32
      %dma_wait3A_920 = tpu.memref_slice %arg5[%add3A_898, %dma_wait3A_919] : memref<128x200xi32, #tpu.memory_space<vmem>> -> memref<1x72xi32, #tpu.memory_space<vmem>>
      %dma_wait3A_921 = tpu.memref_squeeze %dma_wait3A_920 : memref<1x72xi32, #tpu.memory_space<vmem>> -> memref<72xi32, #tpu.memory_space<vmem>>
      %dma_wait3A_922 = arith.constant 0 : i32
      %dma_wait3A_923 = arith.constant 0 : i32
      %dma_wait3A_924 = tpu.memref_slice %arg3[%dma_wait3A_922, %dma_wait3A_923] : memref<1000000x64xf32, #tpu.memory_space<hbm>> -> memref<1000000x64xf32, #tpu.memory_space<hbm>>
      %dma_wait3A_925 = tpu.memref_slice %arg8[%dma_wait3A_914] : memref<4x!tpu.dma_semaphore, #tpu.memory_space<semaphore_mem>> -> memref<1x!tpu.dma_semaphore, #tpu.memory_space<semaphore_mem>>
      %dma_wait3A_926 = tpu.memref_squeeze %dma_wait3A_925 : memref<1x!tpu.dma_semaphore, #tpu.memory_space<semaphore_mem>> -> memref<!tpu.dma_semaphore, #tpu.memory_space<semaphore_mem>>
      tpu.wait_indirect_dma semaphore(%dma_wait3A_926 : memref<!tpu.dma_semaphore, #tpu.memory_space<semaphore_mem>>) src(%dma_wait3A_924 : memref<1000000x64xf32, #tpu.memory_space<hbm>>) dst(%dma_wait3A_918 : memref<72x64xf32, #tpu.memory_space<vmem>>)
      %add3A_927 = arith.addi %mul3A_2, %add3A_898 : i32
      %mul3A_928 = arith.constant 200 : i32
      %mul3A_929 = arith.muli %add3A_927, %mul3A_928 : i32
      %add3A_930 = arith.constant 0 : i32
      %add3A_931 = arith.addi %mul3A_929, %add3A_930 : i32
      %dma_start3A_932 = arith.constant 0 : i32
      %dma_start3A_933 = arith.constant 0 : i32
      %dma_start3A_934 = arith.constant 0 : i32
      %dma_start3A_935 = arith.constant 0 : i32
      %dma_start3A_936 = tpu.memref_slice %arg6[%dma_start3A_932, %dma_start3A_934, %dma_start3A_935] : memref<4x128x64xf32, #tpu.memory_space<vmem>> -> memref<1x128x64xf32, #tpu.memory_space<vmem>>
      %dma_start3A_937 = tpu.memref_squeeze %dma_start3A_936 : memref<1x128x64xf32, #tpu.memory_space<vmem>> -> memref<128x64xf32, #tpu.memory_space<vmem>>
      %dma_start3A_938 = arith.constant 0 : i32
      %dma_start3A_939 = tpu.memref_slice %arg4[%add3A_931, %dma_start3A_938] : memref<819200x128xf32, #tpu.memory_space<hbm>> -> memref<128x64xf32, #tpu.memory_space<hbm>>
      %dma_start3A_940 = tpu.memref_slice %arg9[%dma_start3A_933] : memref<4x!tpu.dma_semaphore, #tpu.memory_space<semaphore_mem>> -> memref<1x!tpu.dma_semaphore, #tpu.memory_space<semaphore_mem>>
      %dma_start3A_941 = tpu.memref_squeeze %dma_start3A_940 : memref<1x!tpu.dma_semaphore, #tpu.memory_space<semaphore_mem>> -> memref<!tpu.dma_semaphore, #tpu.memory_space<semaphore_mem>>
      %dma_start3A_942 = arith.constant 0 : i32
      %dma_start3A_943 = tpu.memref_slice %arg4[%add3A_931, %dma_start3A_942] : memref<819200x128xf32, #tpu.memory_space<hbm>> -> memref<128x64xf32, #tpu.memory_space<hbm>>
      %dma_start3A_944 = arith.constant 0 : i32
      %dma_start3A_945 = arith.constant 0 : i32
      %dma_start3A_946 = tpu.memref_slice %arg6[%dma_start3A_932, %dma_start3A_944, %dma_start3A_945] : memref<4x128x64xf32, #tpu.memory_space<vmem>> -> memref<1x128x64xf32, #tpu.memory_space<vmem>>
      %dma_start3A_947 = tpu.memref_squeeze %dma_start3A_946 : memref<1x128x64xf32, #tpu.memory_space<vmem>> -> memref<128x64xf32, #tpu.memory_space<vmem>>
      tpu.enqueue_dma source(%dma_start3A_947 : memref<128x64xf32, #tpu.memory_space<vmem>>) target(%dma_start3A_943 : memref<128x64xf32, #tpu.memory_space<hbm>>) target_semaphore(%dma_start3A_941 : memref<!tpu.dma_semaphore, #tpu.memory_space<semaphore_mem>>)
      %add3A_948 = arith.addi %mul3A_2, %add3A_898 : i32
      %mul3A_949 = arith.constant 200 : i32
      %mul3A_950 = arith.muli %add3A_948, %mul3A_949 : i32
      %add3A_951 = arith.constant 128 : i32
      %add3A_952 = arith.addi %mul3A_950, %add3A_951 : i32
      %dma_start3A_953 = arith.constant 0 : i32
      %dma_start3A_954 = arith.constant 0 : i32
      %dma_start3A_955 = arith.constant 0 : i32
      %dma_start3A_956 = arith.constant 0 : i32
      %dma_start3A_957 = tpu.memref_slice %arg7[%dma_start3A_953, %dma_start3A_955, %dma_start3A_956] : memref<4x72x64xf32, #tpu.memory_space<vmem>> -> memref<1x72x64xf32, #tpu.memory_space<vmem>>
      %dma_start3A_958 = tpu.memref_squeeze %dma_start3A_957 : memref<1x72x64xf32, #tpu.memory_space<vmem>> -> memref<72x64xf32, #tpu.memory_space<vmem>>
      %dma_start3A_959 = arith.constant 0 : i32
      %dma_start3A_960 = tpu.memref_slice %arg4[%add3A_952, %dma_start3A_959] : memref<819200x128xf32, #tpu.memory_space<hbm>> -> memref<72x64xf32, #tpu.memory_space<hbm>>
      %dma_start3A_961 = tpu.memref_slice %arg9[%dma_start3A_954] : memref<4x!tpu.dma_semaphore, #tpu.memory_space<semaphore_mem>> -> memref<1x!tpu.dma_semaphore, #tpu.memory_space<semaphore_mem>>
      %dma_start3A_962 = tpu.memref_squeeze %dma_start3A_961 : memref<1x!tpu.dma_semaphore, #tpu.memory_space<semaphore_mem>> -> memref<!tpu.dma_semaphore, #tpu.memory_space<semaphore_mem>>
      %dma_start3A_963 = arith.constant 0 : i32
      %dma_start3A_964 = tpu.memref_slice %arg4[%add3A_952, %dma_start3A_963] : memref<819200x128xf32, #tpu.memory_space<hbm>> -> memref<72x64xf32, #tpu.memory_space<hbm>>
      %dma_start3A_965 = arith.constant 0 : i32
      %dma_start3A_966 = arith.constant 0 : i32
      %dma_start3A_967 = tpu.memref_slice %arg7[%dma_start3A_953, %dma_start3A_965, %dma_start3A_966] : memref<4x72x64xf32, #tpu.memory_space<vmem>> -> memref<1x72x64xf32, #tpu.memory_space<vmem>>
      %dma_start3A_968 = tpu.memref_squeeze %dma_start3A_967 : memref<1x72x64xf32, #tpu.memory_space<vmem>> -> memref<72x64xf32, #tpu.memory_space<vmem>>
      tpu.enqueue_dma source(%dma_start3A_968 : memref<72x64xf32, #tpu.memory_space<vmem>>) target(%dma_start3A_964 : memref<72x64xf32, #tpu.memory_space<hbm>>) target_semaphore(%dma_start3A_962 : memref<!tpu.dma_semaphore, #tpu.memory_space<semaphore_mem>>)
      %sub3A_969 = arith.constant 2 : i32
      %sub3A_970 = arith.subi %add3A_898, %sub3A_969 : i32
      %add3A_971 = arith.addi %mul3A_2, %sub3A_970 : i32
      %mul3A_972 = arith.constant 200 : i32
      %mul3A_973 = arith.muli %add3A_971, %mul3A_972 : i32
      %add3A_974 = arith.constant 0 : i32
      %add3A_975 = arith.addi %mul3A_973, %add3A_974 : i32
      %dma_wait3A_976 = arith.constant 2 : i32
      %dma_wait3A_977 = arith.constant 2 : i32
      %dma_wait3A_978 = arith.constant 0 : i32
      %dma_wait3A_979 = arith.constant 0 : i32
      %dma_wait3A_980 = tpu.memref_slice %arg6[%dma_wait3A_976, %dma_wait3A_978, %dma_wait3A_979] : memref<4x128x64xf32, #tpu.memory_space<vmem>> -> memref<1x128x64xf32, #tpu.memory_space<vmem>>
      %dma_wait3A_981 = tpu.memref_squeeze %dma_wait3A_980 : memref<1x128x64xf32, #tpu.memory_space<vmem>> -> memref<128x64xf32, #tpu.memory_space<vmem>>
      %dma_wait3A_982 = arith.constant 0 : i32
      %dma_wait3A_983 = tpu.memref_slice %arg4[%add3A_975, %dma_wait3A_982] : memref<819200x128xf32, #tpu.memory_space<hbm>> -> memref<128x64xf32, #tpu.memory_space<hbm>>
      %dma_wait3A_984 = tpu.memref_slice %arg9[%dma_wait3A_977] : memref<4x!tpu.dma_semaphore, #tpu.memory_space<semaphore_mem>> -> memref<1x!tpu.dma_semaphore, #tpu.memory_space<semaphore_mem>>
      %dma_wait3A_985 = tpu.memref_squeeze %dma_wait3A_984 : memref<1x!tpu.dma_semaphore, #tpu.memory_space<semaphore_mem>> -> memref<!tpu.dma_semaphore, #tpu.memory_space<semaphore_mem>>
      %dma_wait3A_986 = arith.constant 0 : i32
      %dma_wait3A_987 = tpu.memref_slice %arg4[%add3A_975, %dma_wait3A_986] : memref<819200x128xf32, #tpu.memory_space<hbm>> -> memref<128x64xf32, #tpu.memory_space<hbm>>
      %dma_wait3A_988 = arith.constant 0 : i32
      %dma_wait3A_989 = arith.constant 0 : i32
      %dma_wait3A_990 = tpu.memref_slice %arg6[%dma_wait3A_976, %dma_wait3A_988, %dma_wait3A_989] : memref<4x128x64xf32, #tpu.memory_space<vmem>> -> memref<1x128x64xf32, #tpu.memory_space<vmem>>
      %dma_wait3A_991 = tpu.memref_squeeze %dma_wait3A_990 : memref<1x128x64xf32, #tpu.memory_space<vmem>> -> memref<128x64xf32, #tpu.memory_space<vmem>>
      tpu.wait_dma2 semaphore(%dma_wait3A_985 : memref<!tpu.dma_semaphore, #tpu.memory_space<semaphore_mem>>) src(%dma_wait3A_991 : memref<128x64xf32, #tpu.memory_space<vmem>>) dst(%dma_wait3A_987 : memref<128x64xf32, #tpu.memory_space<hbm>>)
      %add3A_992 = arith.addi %mul3A_2, %sub3A_970 : i32
      %mul3A_993 = arith.constant 200 : i32
      %mul3A_994 = arith.muli %add3A_992, %mul3A_993 : i32
      %add3A_995 = arith.constant 128 : i32
      %add3A_996 = arith.addi %mul3A_994, %add3A_995 : i32
      %dma_wait3A_997 = arith.constant 2 : i32
      %dma_wait3A_998 = arith.constant 2 : i32
      %dma_wait3A_999 = arith.constant 0 : i32
      %dma_wait3A_1000 = arith.constant 0 : i32
      %dma_wait3A_1001 = tpu.memref_slice %arg7[%dma_wait3A_997, %dma_wait3A_999, %dma_wait3A_1000] : memref<4x72x64xf32, #tpu.memory_space<vmem>> -> memref<1x72x64xf32, #tpu.memory_space<vmem>>
      %dma_wait3A_1002 = tpu.memref_squeeze %dma_wait3A_1001 : memref<1x72x64xf32, #tpu.memory_space<vmem>> -> memref<72x64xf32, #tpu.memory_space<vmem>>
      %dma_wait3A_1003 = arith.constant 0 : i32
      %dma_wait3A_1004 = tpu.memref_slice %arg4[%add3A_996, %dma_wait3A_1003] : memref<819200x128xf32, #tpu.memory_space<hbm>> -> memref<72x64xf32, #tpu.memory_space<hbm>>
      %dma_wait3A_1005 = tpu.memref_slice %arg9[%dma_wait3A_998] : memref<4x!tpu.dma_semaphore, #tpu.memory_space<semaphore_mem>> -> memref<1x!tpu.dma_semaphore, #tpu.memory_space<semaphore_mem>>
      %dma_wait3A_1006 = tpu.memref_squeeze %dma_wait3A_1005 : memref<1x!tpu.dma_semaphore, #tpu.memory_space<semaphore_mem>> -> memref<!tpu.dma_semaphore, #tpu.memory_space<semaphore_mem>>
      %dma_wait3A_1007 = arith.constant 0 : i32
      %dma_wait3A_1008 = tpu.memref_slice %arg4[%add3A_996, %dma_wait3A_1007] : memref<819200x128xf32, #tpu.memory_space<hbm>> -> memref<72x64xf32, #tpu.memory_space<hbm>>
      %dma_wait3A_1009 = arith.constant 0 : i32
      %dma_wait3A_1010 = arith.constant 0 : i32
      %dma_wait3A_1011 = tpu.memref_slice %arg7[%dma_wait3A_997, %dma_wait3A_1009, %dma_wait3A_1010] : memref<4x72x64xf32, #tpu.memory_space<vmem>> -> memref<1x72x64xf32, #tpu.memory_space<vmem>>
      %dma_wait3A_1012 = tpu.memref_squeeze %dma_wait3A_1011 : memref<1x72x64xf32, #tpu.memory_space<vmem>> -> memref<72x64xf32, #tpu.memory_space<vmem>>
      tpu.wait_dma2 semaphore(%dma_wait3A_1006 : memref<!tpu.dma_semaphore, #tpu.memory_space<semaphore_mem>>) src(%dma_wait3A_1012 : memref<72x64xf32, #tpu.memory_space<vmem>>) dst(%dma_wait3A_1008 : memref<72x64xf32, #tpu.memory_space<hbm>>)
      %add3A_1013 = arith.constant 2 : i32
      %add3A_1014 = arith.addi %add3A_898, %add3A_1013 : i32
      %dma_start3A_1015 = arith.constant 2 : i32
      %dma_start3A_1016 = arith.constant 2 : i32
      %dma_start3A_1017 = arith.constant 0 : i32
      %dma_start3A_1018 = arith.constant 0 : i32
      %dma_start3A_1019 = tpu.memref_slice %arg6[%dma_start3A_1015, %dma_start3A_1017, %dma_start3A_1018] : memref<4x128x64xf32, #tpu.memory_space<vmem>> -> memref<1x128x64xf32, #tpu.memory_space<vmem>>
      %dma_start3A_1020 = tpu.memref_squeeze %dma_start3A_1019 : memref<1x128x64xf32, #tpu.memory_space<vmem>> -> memref<128x64xf32, #tpu.memory_space<vmem>>
      %dma_start3A_1021 = arith.constant 0 : i32
      %dma_start3A_1022 = tpu.memref_slice %arg5[%add3A_1014, %dma_start3A_1021] : memref<128x200xi32, #tpu.memory_space<vmem>> -> memref<1x128xi32, #tpu.memory_space<vmem>>
      %dma_start3A_1023 = tpu.memref_squeeze %dma_start3A_1022 : memref<1x128xi32, #tpu.memory_space<vmem>> -> memref<128xi32, #tpu.memory_space<vmem>>
      %dma_start3A_1024 = arith.constant 0 : i32
      %dma_start3A_1025 = arith.constant 0 : i32
      %dma_start3A_1026 = tpu.memref_slice %arg3[%dma_start3A_1024, %dma_start3A_1025] : memref<1000000x64xf32, #tpu.memory_space<hbm>> -> memref<1000000x64xf32, #tpu.memory_space<hbm>>
      %dma_start3A_1027 = tpu.memref_slice %arg8[%dma_start3A_1016] : memref<4x!tpu.dma_semaphore, #tpu.memory_space<semaphore_mem>> -> memref<1x!tpu.dma_semaphore, #tpu.memory_space<semaphore_mem>>
      %dma_start3A_1028 = tpu.memref_squeeze %dma_start3A_1027 : memref<1x!tpu.dma_semaphore, #tpu.memory_space<semaphore_mem>> -> memref<!tpu.dma_semaphore, #tpu.memory_space<semaphore_mem>>
      tpu.enqueue_indirect_dma source(%dma_start3A_1026 : memref<1000000x64xf32, #tpu.memory_space<hbm>>) target(%dma_start3A_1020 : memref<128x64xf32, #tpu.memory_space<vmem>>) offsets(%dma_start3A_1023 : memref<128xi32, #tpu.memory_space<vmem>>) semaphore(%dma_start3A_1028 : memref<!tpu.dma_semaphore, #tpu.memory_space<semaphore_mem>>)
      %dma_start3A_1029 = arith.constant 2 : i32
      %dma_start3A_1030 = arith.constant 2 : i32
      %dma_start3A_1031 = arith.constant 0 : i32
      %dma_start3A_1032 = arith.constant 0 : i32
      %dma_start3A_1033 = tpu.memref_slice %arg7[%dma_start3A_1029, %dma_start3A_1031, %dma_start3A_1032] : memref<4x72x64xf32, #tpu.memory_space<vmem>> -> memref<1x72x64xf32, #tpu.memory_space<vmem>>
      %dma_start3A_1034 = tpu.memref_squeeze %dma_start3A_1033 : memref<1x72x64xf32, #tpu.memory_space<vmem>> -> memref<72x64xf32, #tpu.memory_space<vmem>>
      %dma_start3A_1035 = arith.constant 128 : i32
      %dma_start3A_1036 = tpu.memref_slice %arg5[%add3A_1014, %dma_start3A_1035] : memref<128x200xi32, #tpu.memory_space<vmem>> -> memref<1x72xi32, #tpu.memory_space<vmem>>
      %dma_start3A_1037 = tpu.memref_squeeze %dma_start3A_1036 : memref<1x72xi32, #tpu.memory_space<vmem>> -> memref<72xi32, #tpu.memory_space<vmem>>
      %dma_start3A_1038 = arith.constant 0 : i32
      %dma_start3A_1039 = arith.constant 0 : i32
      %dma_start3A_1040 = tpu.memref_slice %arg3[%dma_start3A_1038, %dma_start3A_1039] : memref<1000000x64xf32, #tpu.memory_space<hbm>> -> memref<1000000x64xf32, #tpu.memory_space<hbm>>
      %dma_start3A_1041 = tpu.memref_slice %arg8[%dma_start3A_1030] : memref<4x!tpu.dma_semaphore, #tpu.memory_space<semaphore_mem>> -> memref<1x!tpu.dma_semaphore, #tpu.memory_space<semaphore_mem>>
      %dma_start3A_1042 = tpu.memref_squeeze %dma_start3A_1041 : memref<1x!tpu.dma_semaphore, #tpu.memory_space<semaphore_mem>> -> memref<!tpu.dma_semaphore, #tpu.memory_space<semaphore_mem>>
      tpu.enqueue_indirect_dma source(%dma_start3A_1040 : memref<1000000x64xf32, #tpu.memory_space<hbm>>) target(%dma_start3A_1034 : memref<72x64xf32, #tpu.memory_space<vmem>>) offsets(%dma_start3A_1037 : memref<72xi32, #tpu.memory_space<vmem>>) semaphore(%dma_start3A_1042 : memref<!tpu.dma_semaphore, #tpu.memory_space<semaphore_mem>>)
      %add3A_1043 = arith.constant 3 : i32
      %add3A_1044 = arith.addi %add3A_605, %add3A_1043 : i32
      %dma_wait3A_1045 = arith.constant 1 : i32
      %dma_wait3A_1046 = arith.constant 1 : i32
      %dma_wait3A_1047 = arith.constant 0 : i32
      %dma_wait3A_1048 = arith.constant 0 : i32
      %dma_wait3A_1049 = tpu.memref_slice %arg6[%dma_wait3A_1045, %dma_wait3A_1047, %dma_wait3A_1048] : memref<4x128x64xf32, #tpu.memory_space<vmem>> -> memref<1x128x64xf32, #tpu.memory_space<vmem>>
      %dma_wait3A_1050 = tpu.memref_squeeze %dma_wait3A_1049 : memref<1x128x64xf32, #tpu.memory_space<vmem>> -> memref<128x64xf32, #tpu.memory_space<vmem>>
      %dma_wait3A_1051 = arith.constant 0 : i32
      %dma_wait3A_1052 = tpu.memref_slice %arg5[%add3A_1044, %dma_wait3A_1051] : memref<128x200xi32, #tpu.memory_space<vmem>> -> memref<1x128xi32, #tpu.memory_space<vmem>>
      %dma_wait3A_1053 = tpu.memref_squeeze %dma_wait3A_1052 : memref<1x128xi32, #tpu.memory_space<vmem>> -> memref<128xi32, #tpu.memory_space<vmem>>
      %dma_wait3A_1054 = arith.constant 0 : i32
      %dma_wait3A_1055 = arith.constant 0 : i32
      %dma_wait3A_1056 = tpu.memref_slice %arg3[%dma_wait3A_1054, %dma_wait3A_1055] : memref<1000000x64xf32, #tpu.memory_space<hbm>> -> memref<1000000x64xf32, #tpu.memory_space<hbm>>
      %dma_wait3A_1057 = tpu.memref_slice %arg8[%dma_wait3A_1046] : memref<4x!tpu.dma_semaphore, #tpu.memory_space<semaphore_mem>> -> memref<1x!tpu.dma_semaphore, #tpu.memory_space<semaphore_mem>>
      %dma_wait3A_1058 = tpu.memref_squeeze %dma_wait3A_1057 : memref<1x!tpu.dma_semaphore, #tpu.memory_space<semaphore_mem>> -> memref<!tpu.dma_semaphore, #tpu.memory_space<semaphore_mem>>
      tpu.wait_indirect_dma semaphore(%dma_wait3A_1058 : memref<!tpu.dma_semaphore, #tpu.memory_space<semaphore_mem>>) src(%dma_wait3A_1056 : memref<1000000x64xf32, #tpu.memory_space<hbm>>) dst(%dma_wait3A_1050 : memref<128x64xf32, #tpu.memory_space<vmem>>)
      %dma_wait3A_1059 = arith.constant 1 : i32
      %dma_wait3A_1060 = arith.constant 1 : i32
      %dma_wait3A_1061 = arith.constant 0 : i32
      %dma_wait3A_1062 = arith.constant 0 : i32
      %dma_wait3A_1063 = tpu.memref_slice %arg7[%dma_wait3A_1059, %dma_wait3A_1061, %dma_wait3A_1062] : memref<4x72x64xf32, #tpu.memory_space<vmem>> -> memref<1x72x64xf32, #tpu.memory_space<vmem>>
      %dma_wait3A_1064 = tpu.memref_squeeze %dma_wait3A_1063 : memref<1x72x64xf32, #tpu.memory_space<vmem>> -> memref<72x64xf32, #tpu.memory_space<vmem>>
      %dma_wait3A_1065 = arith.constant 128 : i32
      %dma_wait3A_1066 = tpu.memref_slice %arg5[%add3A_1044, %dma_wait3A_1065] : memref<128x200xi32, #tpu.memory_space<vmem>> -> memref<1x72xi32, #tpu.memory_space<vmem>>
      %dma_wait3A_1067 = tpu.memref_squeeze %dma_wait3A_1066 : memref<1x72xi32, #tpu.memory_space<vmem>> -> memref<72xi32, #tpu.memory_space<vmem>>
      %dma_wait3A_1068 = arith.constant 0 : i32
      %dma_wait3A_1069 = arith.constant 0 : i32
      %dma_wait3A_1070 = tpu.memref_slice %arg3[%dma_wait3A_1068, %dma_wait3A_1069] : memref<1000000x64xf32, #tpu.memory_space<hbm>> -> memref<1000000x64xf32, #tpu.memory_space<hbm>>
      %dma_wait3A_1071 = tpu.memref_slice %arg8[%dma_wait3A_1060] : memref<4x!tpu.dma_semaphore, #tpu.memory_space<semaphore_mem>> -> memref<1x!tpu.dma_semaphore, #tpu.memory_space<semaphore_mem>>
      %dma_wait3A_1072 = tpu.memref_squeeze %dma_wait3A_1071 : memref<1x!tpu.dma_semaphore, #tpu.memory_space<semaphore_mem>> -> memref<!tpu.dma_semaphore, #tpu.memory_space<semaphore_mem>>
      tpu.wait_indirect_dma semaphore(%dma_wait3A_1072 : memref<!tpu.dma_semaphore, #tpu.memory_space<semaphore_mem>>) src(%dma_wait3A_1070 : memref<1000000x64xf32, #tpu.memory_space<hbm>>) dst(%dma_wait3A_1064 : memref<72x64xf32, #tpu.memory_space<vmem>>)
      %add3A_1073 = arith.addi %mul3A_2, %add3A_1044 : i32
      %mul3A_1074 = arith.constant 200 : i32
      %mul3A_1075 = arith.muli %add3A_1073, %mul3A_1074 : i32
      %add3A_1076 = arith.constant 0 : i32
      %add3A_1077 = arith.addi %mul3A_1075, %add3A_1076 : i32
      %dma_start3A_1078 = arith.constant 1 : i32
      %dma_start3A_1079 = arith.constant 1 : i32
      %dma_start3A_1080 = arith.constant 0 : i32
      %dma_start3A_1081 = arith.constant 0 : i32
      %dma_start3A_1082 = tpu.memref_slice %arg6[%dma_start3A_1078, %dma_start3A_1080, %dma_start3A_1081] : memref<4x128x64xf32, #tpu.memory_space<vmem>> -> memref<1x128x64xf32, #tpu.memory_space<vmem>>
      %dma_start3A_1083 = tpu.memref_squeeze %dma_start3A_1082 : memref<1x128x64xf32, #tpu.memory_space<vmem>> -> memref<128x64xf32, #tpu.memory_space<vmem>>
      %dma_start3A_1084 = arith.constant 0 : i32
      %dma_start3A_1085 = tpu.memref_slice %arg4[%add3A_1077, %dma_start3A_1084] : memref<819200x128xf32, #tpu.memory_space<hbm>> -> memref<128x64xf32, #tpu.memory_space<hbm>>
      %dma_start3A_1086 = tpu.memref_slice %arg9[%dma_start3A_1079] : memref<4x!tpu.dma_semaphore, #tpu.memory_space<semaphore_mem>> -> memref<1x!tpu.dma_semaphore, #tpu.memory_space<semaphore_mem>>
      %dma_start3A_1087 = tpu.memref_squeeze %dma_start3A_1086 : memref<1x!tpu.dma_semaphore, #tpu.memory_space<semaphore_mem>> -> memref<!tpu.dma_semaphore, #tpu.memory_space<semaphore_mem>>
      %dma_start3A_1088 = arith.constant 0 : i32
      %dma_start3A_1089 = tpu.memref_slice %arg4[%add3A_1077, %dma_start3A_1088] : memref<819200x128xf32, #tpu.memory_space<hbm>> -> memref<128x64xf32, #tpu.memory_space<hbm>>
      %dma_start3A_1090 = arith.constant 0 : i32
      %dma_start3A_1091 = arith.constant 0 : i32
      %dma_start3A_1092 = tpu.memref_slice %arg6[%dma_start3A_1078, %dma_start3A_1090, %dma_start3A_1091] : memref<4x128x64xf32, #tpu.memory_space<vmem>> -> memref<1x128x64xf32, #tpu.memory_space<vmem>>
      %dma_start3A_1093 = tpu.memref_squeeze %dma_start3A_1092 : memref<1x128x64xf32, #tpu.memory_space<vmem>> -> memref<128x64xf32, #tpu.memory_space<vmem>>
      tpu.enqueue_dma source(%dma_start3A_1093 : memref<128x64xf32, #tpu.memory_space<vmem>>) target(%dma_start3A_1089 : memref<128x64xf32, #tpu.memory_space<hbm>>) target_semaphore(%dma_start3A_1087 : memref<!tpu.dma_semaphore, #tpu.memory_space<semaphore_mem>>)
      %add3A_1094 = arith.addi %mul3A_2, %add3A_1044 : i32
      %mul3A_1095 = arith.constant 200 : i32
      %mul3A_1096 = arith.muli %add3A_1094, %mul3A_1095 : i32
      %add3A_1097 = arith.constant 128 : i32
      %add3A_1098 = arith.addi %mul3A_1096, %add3A_1097 : i32
      %dma_start3A_1099 = arith.constant 1 : i32
      %dma_start3A_1100 = arith.constant 1 : i32
      %dma_start3A_1101 = arith.constant 0 : i32
      %dma_start3A_1102 = arith.constant 0 : i32
      %dma_start3A_1103 = tpu.memref_slice %arg7[%dma_start3A_1099, %dma_start3A_1101, %dma_start3A_1102] : memref<4x72x64xf32, #tpu.memory_space<vmem>> -> memref<1x72x64xf32, #tpu.memory_space<vmem>>
      %dma_start3A_1104 = tpu.memref_squeeze %dma_start3A_1103 : memref<1x72x64xf32, #tpu.memory_space<vmem>> -> memref<72x64xf32, #tpu.memory_space<vmem>>
      %dma_start3A_1105 = arith.constant 0 : i32
      %dma_start3A_1106 = tpu.memref_slice %arg4[%add3A_1098, %dma_start3A_1105] : memref<819200x128xf32, #tpu.memory_space<hbm>> -> memref<72x64xf32, #tpu.memory_space<hbm>>
      %dma_start3A_1107 = tpu.memref_slice %arg9[%dma_start3A_1100] : memref<4x!tpu.dma_semaphore, #tpu.memory_space<semaphore_mem>> -> memref<1x!tpu.dma_semaphore, #tpu.memory_space<semaphore_mem>>
      %dma_start3A_1108 = tpu.memref_squeeze %dma_start3A_1107 : memref<1x!tpu.dma_semaphore, #tpu.memory_space<semaphore_mem>> -> memref<!tpu.dma_semaphore, #tpu.memory_space<semaphore_mem>>
      %dma_start3A_1109 = arith.constant 0 : i32
      %dma_start3A_1110 = tpu.memref_slice %arg4[%add3A_1098, %dma_start3A_1109] : memref<819200x128xf32, #tpu.memory_space<hbm>> -> memref<72x64xf32, #tpu.memory_space<hbm>>
      %dma_start3A_1111 = arith.constant 0 : i32
      %dma_start3A_1112 = arith.constant 0 : i32
      %dma_start3A_1113 = tpu.memref_slice %arg7[%dma_start3A_1099, %dma_start3A_1111, %dma_start3A_1112] : memref<4x72x64xf32, #tpu.memory_space<vmem>> -> memref<1x72x64xf32, #tpu.memory_space<vmem>>
      %dma_start3A_1114 = tpu.memref_squeeze %dma_start3A_1113 : memref<1x72x64xf32, #tpu.memory_space<vmem>> -> memref<72x64xf32, #tpu.memory_space<vmem>>
      tpu.enqueue_dma source(%dma_start3A_1114 : memref<72x64xf32, #tpu.memory_space<vmem>>) target(%dma_start3A_1110 : memref<72x64xf32, #tpu.memory_space<hbm>>) target_semaphore(%dma_start3A_1108 : memref<!tpu.dma_semaphore, #tpu.memory_space<semaphore_mem>>)
      %sub3A_1115 = arith.constant 2 : i32
      %sub3A_1116 = arith.subi %add3A_1044, %sub3A_1115 : i32
      %add3A_1117 = arith.addi %mul3A_2, %sub3A_1116 : i32
      %mul3A_1118 = arith.constant 200 : i32
      %mul3A_1119 = arith.muli %add3A_1117, %mul3A_1118 : i32
      %add3A_1120 = arith.constant 0 : i32
      %add3A_1121 = arith.addi %mul3A_1119, %add3A_1120 : i32
      %dma_wait3A_1122 = arith.constant 3 : i32
      %dma_wait3A_1123 = arith.constant 3 : i32
      %dma_wait3A_1124 = arith.constant 0 : i32
      %dma_wait3A_1125 = arith.constant 0 : i32
      %dma_wait3A_1126 = tpu.memref_slice %arg6[%dma_wait3A_1122, %dma_wait3A_1124, %dma_wait3A_1125] : memref<4x128x64xf32, #tpu.memory_space<vmem>> -> memref<1x128x64xf32, #tpu.memory_space<vmem>>
      %dma_wait3A_1127 = tpu.memref_squeeze %dma_wait3A_1126 : memref<1x128x64xf32, #tpu.memory_space<vmem>> -> memref<128x64xf32, #tpu.memory_space<vmem>>
      %dma_wait3A_1128 = arith.constant 0 : i32
      %dma_wait3A_1129 = tpu.memref_slice %arg4[%add3A_1121, %dma_wait3A_1128] : memref<819200x128xf32, #tpu.memory_space<hbm>> -> memref<128x64xf32, #tpu.memory_space<hbm>>
      %dma_wait3A_1130 = tpu.memref_slice %arg9[%dma_wait3A_1123] : memref<4x!tpu.dma_semaphore, #tpu.memory_space<semaphore_mem>> -> memref<1x!tpu.dma_semaphore, #tpu.memory_space<semaphore_mem>>
      %dma_wait3A_1131 = tpu.memref_squeeze %dma_wait3A_1130 : memref<1x!tpu.dma_semaphore, #tpu.memory_space<semaphore_mem>> -> memref<!tpu.dma_semaphore, #tpu.memory_space<semaphore_mem>>
      %dma_wait3A_1132 = arith.constant 0 : i32
      %dma_wait3A_1133 = tpu.memref_slice %arg4[%add3A_1121, %dma_wait3A_1132] : memref<819200x128xf32, #tpu.memory_space<hbm>> -> memref<128x64xf32, #tpu.memory_space<hbm>>
      %dma_wait3A_1134 = arith.constant 0 : i32
      %dma_wait3A_1135 = arith.constant 0 : i32
      %dma_wait3A_1136 = tpu.memref_slice %arg6[%dma_wait3A_1122, %dma_wait3A_1134, %dma_wait3A_1135] : memref<4x128x64xf32, #tpu.memory_space<vmem>> -> memref<1x128x64xf32, #tpu.memory_space<vmem>>
      %dma_wait3A_1137 = tpu.memref_squeeze %dma_wait3A_1136 : memref<1x128x64xf32, #tpu.memory_space<vmem>> -> memref<128x64xf32, #tpu.memory_space<vmem>>
      tpu.wait_dma2 semaphore(%dma_wait3A_1131 : memref<!tpu.dma_semaphore, #tpu.memory_space<semaphore_mem>>) src(%dma_wait3A_1137 : memref<128x64xf32, #tpu.memory_space<vmem>>) dst(%dma_wait3A_1133 : memref<128x64xf32, #tpu.memory_space<hbm>>)
      %add3A_1138 = arith.addi %mul3A_2, %sub3A_1116 : i32
      %mul3A_1139 = arith.constant 200 : i32
      %mul3A_1140 = arith.muli %add3A_1138, %mul3A_1139 : i32
      %add3A_1141 = arith.constant 128 : i32
      %add3A_1142 = arith.addi %mul3A_1140, %add3A_1141 : i32
      %dma_wait3A_1143 = arith.constant 3 : i32
      %dma_wait3A_1144 = arith.constant 3 : i32
      %dma_wait3A_1145 = arith.constant 0 : i32
      %dma_wait3A_1146 = arith.constant 0 : i32
      %dma_wait3A_1147 = tpu.memref_slice %arg7[%dma_wait3A_1143, %dma_wait3A_1145, %dma_wait3A_1146] : memref<4x72x64xf32, #tpu.memory_space<vmem>> -> memref<1x72x64xf32, #tpu.memory_space<vmem>>
      %dma_wait3A_1148 = tpu.memref_squeeze %dma_wait3A_1147 : memref<1x72x64xf32, #tpu.memory_space<vmem>> -> memref<72x64xf32, #tpu.memory_space<vmem>>
      %dma_wait3A_1149 = arith.constant 0 : i32
      %dma_wait3A_1150 = tpu.memref_slice %arg4[%add3A_1142, %dma_wait3A_1149] : memref<819200x128xf32, #tpu.memory_space<hbm>> -> memref<72x64xf32, #tpu.memory_space<hbm>>
      %dma_wait3A_1151 = tpu.memref_slice %arg9[%dma_wait3A_1144] : memref<4x!tpu.dma_semaphore, #tpu.memory_space<semaphore_mem>> -> memref<1x!tpu.dma_semaphore, #tpu.memory_space<semaphore_mem>>
      %dma_wait3A_1152 = tpu.memref_squeeze %dma_wait3A_1151 : memref<1x!tpu.dma_semaphore, #tpu.memory_space<semaphore_mem>> -> memref<!tpu.dma_semaphore, #tpu.memory_space<semaphore_mem>>
      %dma_wait3A_1153 = arith.constant 0 : i32
      %dma_wait3A_1154 = tpu.memref_slice %arg4[%add3A_1142, %dma_wait3A_1153] : memref<819200x128xf32, #tpu.memory_space<hbm>> -> memref<72x64xf32, #tpu.memory_space<hbm>>
      %dma_wait3A_1155 = arith.constant 0 : i32
      %dma_wait3A_1156 = arith.constant 0 : i32
      %dma_wait3A_1157 = tpu.memref_slice %arg7[%dma_wait3A_1143, %dma_wait3A_1155, %dma_wait3A_1156] : memref<4x72x64xf32, #tpu.memory_space<vmem>> -> memref<1x72x64xf32, #tpu.memory_space<vmem>>
      %dma_wait3A_1158 = tpu.memref_squeeze %dma_wait3A_1157 : memref<1x72x64xf32, #tpu.memory_space<vmem>> -> memref<72x64xf32, #tpu.memory_space<vmem>>
      tpu.wait_dma2 semaphore(%dma_wait3A_1152 : memref<!tpu.dma_semaphore, #tpu.memory_space<semaphore_mem>>) src(%dma_wait3A_1158 : memref<72x64xf32, #tpu.memory_space<vmem>>) dst(%dma_wait3A_1154 : memref<72x64xf32, #tpu.memory_space<hbm>>)
      %add3A_1159 = arith.constant 2 : i32
      %add3A_1160 = arith.addi %add3A_1044, %add3A_1159 : i32
      %dma_start3A_1161 = arith.constant 3 : i32
      %dma_start3A_1162 = arith.constant 3 : i32
      %dma_start3A_1163 = arith.constant 0 : i32
      %dma_start3A_1164 = arith.constant 0 : i32
      %dma_start3A_1165 = tpu.memref_slice %arg6[%dma_start3A_1161, %dma_start3A_1163, %dma_start3A_1164] : memref<4x128x64xf32, #tpu.memory_space<vmem>> -> memref<1x128x64xf32, #tpu.memory_space<vmem>>
      %dma_start3A_1166 = tpu.memref_squeeze %dma_start3A_1165 : memref<1x128x64xf32, #tpu.memory_space<vmem>> -> memref<128x64xf32, #tpu.memory_space<vmem>>
      %dma_start3A_1167 = arith.constant 0 : i32
      %dma_start3A_1168 = tpu.memref_slice %arg5[%add3A_1160, %dma_start3A_1167] : memref<128x200xi32, #tpu.memory_space<vmem>> -> memref<1x128xi32, #tpu.memory_space<vmem>>
      %dma_start3A_1169 = tpu.memref_squeeze %dma_start3A_1168 : memref<1x128xi32, #tpu.memory_space<vmem>> -> memref<128xi32, #tpu.memory_space<vmem>>
      %dma_start3A_1170 = arith.constant 0 : i32
      %dma_start3A_1171 = arith.constant 0 : i32
      %dma_start3A_1172 = tpu.memref_slice %arg3[%dma_start3A_1170, %dma_start3A_1171] : memref<1000000x64xf32, #tpu.memory_space<hbm>> -> memref<1000000x64xf32, #tpu.memory_space<hbm>>
      %dma_start3A_1173 = tpu.memref_slice %arg8[%dma_start3A_1162] : memref<4x!tpu.dma_semaphore, #tpu.memory_space<semaphore_mem>> -> memref<1x!tpu.dma_semaphore, #tpu.memory_space<semaphore_mem>>
      %dma_start3A_1174 = tpu.memref_squeeze %dma_start3A_1173 : memref<1x!tpu.dma_semaphore, #tpu.memory_space<semaphore_mem>> -> memref<!tpu.dma_semaphore, #tpu.memory_space<semaphore_mem>>
      tpu.enqueue_indirect_dma source(%dma_start3A_1172 : memref<1000000x64xf32, #tpu.memory_space<hbm>>) target(%dma_start3A_1166 : memref<128x64xf32, #tpu.memory_space<vmem>>) offsets(%dma_start3A_1169 : memref<128xi32, #tpu.memory_space<vmem>>) semaphore(%dma_start3A_1174 : memref<!tpu.dma_semaphore, #tpu.memory_space<semaphore_mem>>)
      %dma_start3A_1175 = arith.constant 3 : i32
      %dma_start3A_1176 = arith.constant 3 : i32
      %dma_start3A_1177 = arith.constant 0 : i32
      %dma_start3A_1178 = arith.constant 0 : i32
      %dma_start3A_1179 = tpu.memref_slice %arg7[%dma_start3A_1175, %dma_start3A_1177, %dma_start3A_1178] : memref<4x72x64xf32, #tpu.memory_space<vmem>> -> memref<1x72x64xf32, #tpu.memory_space<vmem>>
      %dma_start3A_1180 = tpu.memref_squeeze %dma_start3A_1179 : memref<1x72x64xf32, #tpu.memory_space<vmem>> -> memref<72x64xf32, #tpu.memory_space<vmem>>
      %dma_start3A_1181 = arith.constant 128 : i32
      %dma_start3A_1182 = tpu.memref_slice %arg5[%add3A_1160, %dma_start3A_1181] : memref<128x200xi32, #tpu.memory_space<vmem>> -> memref<1x72xi32, #tpu.memory_space<vmem>>
      %dma_start3A_1183 = tpu.memref_squeeze %dma_start3A_1182 : memref<1x72xi32, #tpu.memory_space<vmem>> -> memref<72xi32, #tpu.memory_space<vmem>>
      %dma_start3A_1184 = arith.constant 0 : i32
      %dma_start3A_1185 = arith.constant 0 : i32
      %dma_start3A_1186 = tpu.memref_slice %arg3[%dma_start3A_1184, %dma_start3A_1185] : memref<1000000x64xf32, #tpu.memory_space<hbm>> -> memref<1000000x64xf32, #tpu.memory_space<hbm>>
      %dma_start3A_1187 = tpu.memref_slice %arg8[%dma_start3A_1176] : memref<4x!tpu.dma_semaphore, #tpu.memory_space<semaphore_mem>> -> memref<1x!tpu.dma_semaphore, #tpu.memory_space<semaphore_mem>>
      %dma_start3A_1188 = tpu.memref_squeeze %dma_start3A_1187 : memref<1x!tpu.dma_semaphore, #tpu.memory_space<semaphore_mem>> -> memref<!tpu.dma_semaphore, #tpu.memory_space<semaphore_mem>>
      tpu.enqueue_indirect_dma source(%dma_start3A_1186 : memref<1000000x64xf32, #tpu.memory_space<hbm>>) target(%dma_start3A_1180 : memref<72x64xf32, #tpu.memory_space<vmem>>) offsets(%dma_start3A_1183 : memref<72xi32, #tpu.memory_space<vmem>>) semaphore(%dma_start3A_1188 : memref<!tpu.dma_semaphore, #tpu.memory_space<semaphore_mem>>)
    }
    %scan3A_272 = arith.constant 31 : i32
    %dma_wait3A_273 = arith.constant 126 : i32
    %dma_wait3A_274 = arith.constant 2 : i32
    %dma_wait3A_275 = arith.constant 2 : i32
    %dma_wait3A_276 = arith.constant 0 : i32
    %dma_wait3A_277 = arith.constant 0 : i32
    %dma_wait3A_278 = tpu.memref_slice %arg6[%dma_wait3A_274, %dma_wait3A_276, %dma_wait3A_277] : memref<4x128x64xf32, #tpu.memory_space<vmem>> -> memref<1x128x64xf32, #tpu.memory_space<vmem>>
    %dma_wait3A_279 = tpu.memref_squeeze %dma_wait3A_278 : memref<1x128x64xf32, #tpu.memory_space<vmem>> -> memref<128x64xf32, #tpu.memory_space<vmem>>
    %dma_wait3A_280 = arith.constant 0 : i32
    %dma_wait3A_281 = tpu.memref_slice %arg5[%dma_wait3A_273, %dma_wait3A_280] : memref<128x200xi32, #tpu.memory_space<vmem>> -> memref<1x128xi32, #tpu.memory_space<vmem>>
    %dma_wait3A_282 = tpu.memref_squeeze %dma_wait3A_281 : memref<1x128xi32, #tpu.memory_space<vmem>> -> memref<128xi32, #tpu.memory_space<vmem>>
    %dma_wait3A_283 = arith.constant 0 : i32
    %dma_wait3A_284 = arith.constant 0 : i32
    %dma_wait3A_285 = tpu.memref_slice %arg3[%dma_wait3A_283, %dma_wait3A_284] : memref<1000000x64xf32, #tpu.memory_space<hbm>> -> memref<1000000x64xf32, #tpu.memory_space<hbm>>
    %dma_wait3A_286 = tpu.memref_slice %arg8[%dma_wait3A_275] : memref<4x!tpu.dma_semaphore, #tpu.memory_space<semaphore_mem>> -> memref<1x!tpu.dma_semaphore, #tpu.memory_space<semaphore_mem>>
    %dma_wait3A_287 = tpu.memref_squeeze %dma_wait3A_286 : memref<1x!tpu.dma_semaphore, #tpu.memory_space<semaphore_mem>> -> memref<!tpu.dma_semaphore, #tpu.memory_space<semaphore_mem>>
    tpu.wait_indirect_dma semaphore(%dma_wait3A_287 : memref<!tpu.dma_semaphore, #tpu.memory_space<semaphore_mem>>) src(%dma_wait3A_285 : memref<1000000x64xf32, #tpu.memory_space<hbm>>) dst(%dma_wait3A_279 : memref<128x64xf32, #tpu.memory_space<vmem>>)
    %dma_wait3A_288 = arith.constant 126 : i32
    %dma_wait3A_289 = arith.constant 2 : i32
    %dma_wait3A_290 = arith.constant 2 : i32
    %dma_wait3A_291 = arith.constant 0 : i32
    %dma_wait3A_292 = arith.constant 0 : i32
    %dma_wait3A_293 = tpu.memref_slice %arg7[%dma_wait3A_289, %dma_wait3A_291, %dma_wait3A_292] : memref<4x72x64xf32, #tpu.memory_space<vmem>> -> memref<1x72x64xf32, #tpu.memory_space<vmem>>
    %dma_wait3A_294 = tpu.memref_squeeze %dma_wait3A_293 : memref<1x72x64xf32, #tpu.memory_space<vmem>> -> memref<72x64xf32, #tpu.memory_space<vmem>>
    %dma_wait3A_295 = arith.constant 128 : i32
    %dma_wait3A_296 = tpu.memref_slice %arg5[%dma_wait3A_288, %dma_wait3A_295] : memref<128x200xi32, #tpu.memory_space<vmem>> -> memref<1x72xi32, #tpu.memory_space<vmem>>
    %dma_wait3A_297 = tpu.memref_squeeze %dma_wait3A_296 : memref<1x72xi32, #tpu.memory_space<vmem>> -> memref<72xi32, #tpu.memory_space<vmem>>
    %dma_wait3A_298 = arith.constant 0 : i32
    %dma_wait3A_299 = arith.constant 0 : i32
    %dma_wait3A_300 = tpu.memref_slice %arg3[%dma_wait3A_298, %dma_wait3A_299] : memref<1000000x64xf32, #tpu.memory_space<hbm>> -> memref<1000000x64xf32, #tpu.memory_space<hbm>>
    %dma_wait3A_301 = tpu.memref_slice %arg8[%dma_wait3A_290] : memref<4x!tpu.dma_semaphore, #tpu.memory_space<semaphore_mem>> -> memref<1x!tpu.dma_semaphore, #tpu.memory_space<semaphore_mem>>
    %dma_wait3A_302 = tpu.memref_squeeze %dma_wait3A_301 : memref<1x!tpu.dma_semaphore, #tpu.memory_space<semaphore_mem>> -> memref<!tpu.dma_semaphore, #tpu.memory_space<semaphore_mem>>
    tpu.wait_indirect_dma semaphore(%dma_wait3A_302 : memref<!tpu.dma_semaphore, #tpu.memory_space<semaphore_mem>>) src(%dma_wait3A_300 : memref<1000000x64xf32, #tpu.memory_space<hbm>>) dst(%dma_wait3A_294 : memref<72x64xf32, #tpu.memory_space<vmem>>)
    %add3A_303 = arith.constant 126 : i32
    %add3A_304 = arith.addi %mul3A_2, %add3A_303 : i32
    %mul3A_305 = arith.constant 200 : i32
    %mul3A_306 = arith.muli %add3A_304, %mul3A_305 : i32
    %add3A_307 = arith.constant 0 : i32
    %add3A_308 = arith.addi %mul3A_306, %add3A_307 : i32
    %dma_start3A_309 = arith.constant 2 : i32
    %dma_start3A_310 = arith.constant 2 : i32
    %dma_start3A_311 = arith.constant 0 : i32
    %dma_start3A_312 = arith.constant 0 : i32
    %dma_start3A_313 = tpu.memref_slice %arg6[%dma_start3A_309, %dma_start3A_311, %dma_start3A_312] : memref<4x128x64xf32, #tpu.memory_space<vmem>> -> memref<1x128x64xf32, #tpu.memory_space<vmem>>
    %dma_start3A_314 = tpu.memref_squeeze %dma_start3A_313 : memref<1x128x64xf32, #tpu.memory_space<vmem>> -> memref<128x64xf32, #tpu.memory_space<vmem>>
    %dma_start3A_315 = arith.constant 0 : i32
    %dma_start3A_316 = tpu.memref_slice %arg4[%add3A_308, %dma_start3A_315] : memref<819200x128xf32, #tpu.memory_space<hbm>> -> memref<128x64xf32, #tpu.memory_space<hbm>>
    %dma_start3A_317 = tpu.memref_slice %arg9[%dma_start3A_310] : memref<4x!tpu.dma_semaphore, #tpu.memory_space<semaphore_mem>> -> memref<1x!tpu.dma_semaphore, #tpu.memory_space<semaphore_mem>>
    %dma_start3A_318 = tpu.memref_squeeze %dma_start3A_317 : memref<1x!tpu.dma_semaphore, #tpu.memory_space<semaphore_mem>> -> memref<!tpu.dma_semaphore, #tpu.memory_space<semaphore_mem>>
    %dma_start3A_319 = arith.constant 0 : i32
    %dma_start3A_320 = tpu.memref_slice %arg4[%add3A_308, %dma_start3A_319] : memref<819200x128xf32, #tpu.memory_space<hbm>> -> memref<128x64xf32, #tpu.memory_space<hbm>>
    %dma_start3A_321 = arith.constant 0 : i32
    %dma_start3A_322 = arith.constant 0 : i32
    %dma_start3A_323 = tpu.memref_slice %arg6[%dma_start3A_309, %dma_start3A_321, %dma_start3A_322] : memref<4x128x64xf32, #tpu.memory_space<vmem>> -> memref<1x128x64xf32, #tpu.memory_space<vmem>>
    %dma_start3A_324 = tpu.memref_squeeze %dma_start3A_323 : memref<1x128x64xf32, #tpu.memory_space<vmem>> -> memref<128x64xf32, #tpu.memory_space<vmem>>
    tpu.enqueue_dma source(%dma_start3A_324 : memref<128x64xf32, #tpu.memory_space<vmem>>) target(%dma_start3A_320 : memref<128x64xf32, #tpu.memory_space<hbm>>) target_semaphore(%dma_start3A_318 : memref<!tpu.dma_semaphore, #tpu.memory_space<semaphore_mem>>)
    %add3A_325 = arith.constant 126 : i32
    %add3A_326 = arith.addi %mul3A_2, %add3A_325 : i32
    %mul3A_327 = arith.constant 200 : i32
    %mul3A_328 = arith.muli %add3A_326, %mul3A_327 : i32
    %add3A_329 = arith.constant 128 : i32
    %add3A_330 = arith.addi %mul3A_328, %add3A_329 : i32
    %dma_start3A_331 = arith.constant 2 : i32
    %dma_start3A_332 = arith.constant 2 : i32
    %dma_start3A_333 = arith.constant 0 : i32
    %dma_start3A_334 = arith.constant 0 : i32
    %dma_start3A_335 = tpu.memref_slice %arg7[%dma_start3A_331, %dma_start3A_333, %dma_start3A_334] : memref<4x72x64xf32, #tpu.memory_space<vmem>> -> memref<1x72x64xf32, #tpu.memory_space<vmem>>
    %dma_start3A_336 = tpu.memref_squeeze %dma_start3A_335 : memref<1x72x64xf32, #tpu.memory_space<vmem>> -> memref<72x64xf32, #tpu.memory_space<vmem>>
    %dma_start3A_337 = arith.constant 0 : i32
    %dma_start3A_338 = tpu.memref_slice %arg4[%add3A_330, %dma_start3A_337] : memref<819200x128xf32, #tpu.memory_space<hbm>> -> memref<72x64xf32, #tpu.memory_space<hbm>>
    %dma_start3A_339 = tpu.memref_slice %arg9[%dma_start3A_332] : memref<4x!tpu.dma_semaphore, #tpu.memory_space<semaphore_mem>> -> memref<1x!tpu.dma_semaphore, #tpu.memory_space<semaphore_mem>>
    %dma_start3A_340 = tpu.memref_squeeze %dma_start3A_339 : memref<1x!tpu.dma_semaphore, #tpu.memory_space<semaphore_mem>> -> memref<!tpu.dma_semaphore, #tpu.memory_space<semaphore_mem>>
    %dma_start3A_341 = arith.constant 0 : i32
    %dma_start3A_342 = tpu.memref_slice %arg4[%add3A_330, %dma_start3A_341] : memref<819200x128xf32, #tpu.memory_space<hbm>> -> memref<72x64xf32, #tpu.memory_space<hbm>>
    %dma_start3A_343 = arith.constant 0 : i32
    %dma_start3A_344 = arith.constant 0 : i32
    %dma_start3A_345 = tpu.memref_slice %arg7[%dma_start3A_331, %dma_start3A_343, %dma_start3A_344] : memref<4x72x64xf32, #tpu.memory_space<vmem>> -> memref<1x72x64xf32, #tpu.memory_space<vmem>>
    %dma_start3A_346 = tpu.memref_squeeze %dma_start3A_345 : memref<1x72x64xf32, #tpu.memory_space<vmem>> -> memref<72x64xf32, #tpu.memory_space<vmem>>
    tpu.enqueue_dma source(%dma_start3A_346 : memref<72x64xf32, #tpu.memory_space<vmem>>) target(%dma_start3A_342 : memref<72x64xf32, #tpu.memory_space<hbm>>) target_semaphore(%dma_start3A_340 : memref<!tpu.dma_semaphore, #tpu.memory_space<semaphore_mem>>)
    %add3A_347 = arith.constant 124 : i32
    %add3A_348 = arith.addi %mul3A_2, %add3A_347 : i32
    %mul3A_349 = arith.constant 200 : i32
    %mul3A_350 = arith.muli %add3A_348, %mul3A_349 : i32
    %add3A_351 = arith.constant 0 : i32
    %add3A_352 = arith.addi %mul3A_350, %add3A_351 : i32
    %dma_wait3A_353 = arith.constant 0 : i32
    %dma_wait3A_354 = arith.constant 0 : i32
    %dma_wait3A_355 = arith.constant 0 : i32
    %dma_wait3A_356 = arith.constant 0 : i32
    %dma_wait3A_357 = tpu.memref_slice %arg6[%dma_wait3A_353, %dma_wait3A_355, %dma_wait3A_356] : memref<4x128x64xf32, #tpu.memory_space<vmem>> -> memref<1x128x64xf32, #tpu.memory_space<vmem>>
    %dma_wait3A_358 = tpu.memref_squeeze %dma_wait3A_357 : memref<1x128x64xf32, #tpu.memory_space<vmem>> -> memref<128x64xf32, #tpu.memory_space<vmem>>
    %dma_wait3A_359 = arith.constant 0 : i32
    %dma_wait3A_360 = tpu.memref_slice %arg4[%add3A_352, %dma_wait3A_359] : memref<819200x128xf32, #tpu.memory_space<hbm>> -> memref<128x64xf32, #tpu.memory_space<hbm>>
    %dma_wait3A_361 = tpu.memref_slice %arg9[%dma_wait3A_354] : memref<4x!tpu.dma_semaphore, #tpu.memory_space<semaphore_mem>> -> memref<1x!tpu.dma_semaphore, #tpu.memory_space<semaphore_mem>>
    %dma_wait3A_362 = tpu.memref_squeeze %dma_wait3A_361 : memref<1x!tpu.dma_semaphore, #tpu.memory_space<semaphore_mem>> -> memref<!tpu.dma_semaphore, #tpu.memory_space<semaphore_mem>>
    %dma_wait3A_363 = arith.constant 0 : i32
    %dma_wait3A_364 = tpu.memref_slice %arg4[%add3A_352, %dma_wait3A_363] : memref<819200x128xf32, #tpu.memory_space<hbm>> -> memref<128x64xf32, #tpu.memory_space<hbm>>
    %dma_wait3A_365 = arith.constant 0 : i32
    %dma_wait3A_366 = arith.constant 0 : i32
    %dma_wait3A_367 = tpu.memref_slice %arg6[%dma_wait3A_353, %dma_wait3A_365, %dma_wait3A_366] : memref<4x128x64xf32, #tpu.memory_space<vmem>> -> memref<1x128x64xf32, #tpu.memory_space<vmem>>
    %dma_wait3A_368 = tpu.memref_squeeze %dma_wait3A_367 : memref<1x128x64xf32, #tpu.memory_space<vmem>> -> memref<128x64xf32, #tpu.memory_space<vmem>>
    tpu.wait_dma2 semaphore(%dma_wait3A_362 : memref<!tpu.dma_semaphore, #tpu.memory_space<semaphore_mem>>) src(%dma_wait3A_368 : memref<128x64xf32, #tpu.memory_space<vmem>>) dst(%dma_wait3A_364 : memref<128x64xf32, #tpu.memory_space<hbm>>)
    %add3A_369 = arith.constant 124 : i32
    %add3A_370 = arith.addi %mul3A_2, %add3A_369 : i32
    %mul3A_371 = arith.constant 200 : i32
    %mul3A_372 = arith.muli %add3A_370, %mul3A_371 : i32
    %add3A_373 = arith.constant 128 : i32
    %add3A_374 = arith.addi %mul3A_372, %add3A_373 : i32
    %dma_wait3A_375 = arith.constant 0 : i32
    %dma_wait3A_376 = arith.constant 0 : i32
    %dma_wait3A_377 = arith.constant 0 : i32
    %dma_wait3A_378 = arith.constant 0 : i32
    %dma_wait3A_379 = tpu.memref_slice %arg7[%dma_wait3A_375, %dma_wait3A_377, %dma_wait3A_378] : memref<4x72x64xf32, #tpu.memory_space<vmem>> -> memref<1x72x64xf32, #tpu.memory_space<vmem>>
    %dma_wait3A_380 = tpu.memref_squeeze %dma_wait3A_379 : memref<1x72x64xf32, #tpu.memory_space<vmem>> -> memref<72x64xf32, #tpu.memory_space<vmem>>
    %dma_wait3A_381 = arith.constant 0 : i32
    %dma_wait3A_382 = tpu.memref_slice %arg4[%add3A_374, %dma_wait3A_381] : memref<819200x128xf32, #tpu.memory_space<hbm>> -> memref<72x64xf32, #tpu.memory_space<hbm>>
    %dma_wait3A_383 = tpu.memref_slice %arg9[%dma_wait3A_376] : memref<4x!tpu.dma_semaphore, #tpu.memory_space<semaphore_mem>> -> memref<1x!tpu.dma_semaphore, #tpu.memory_space<semaphore_mem>>
    %dma_wait3A_384 = tpu.memref_squeeze %dma_wait3A_383 : memref<1x!tpu.dma_semaphore, #tpu.memory_space<semaphore_mem>> -> memref<!tpu.dma_semaphore, #tpu.memory_space<semaphore_mem>>
    %dma_wait3A_385 = arith.constant 0 : i32
    %dma_wait3A_386 = tpu.memref_slice %arg4[%add3A_374, %dma_wait3A_385] : memref<819200x128xf32, #tpu.memory_space<hbm>> -> memref<72x64xf32, #tpu.memory_space<hbm>>
    %dma_wait3A_387 = arith.constant 0 : i32
    %dma_wait3A_388 = arith.constant 0 : i32
    %dma_wait3A_389 = tpu.memref_slice %arg7[%dma_wait3A_375, %dma_wait3A_387, %dma_wait3A_388] : memref<4x72x64xf32, #tpu.memory_space<vmem>> -> memref<1x72x64xf32, #tpu.memory_space<vmem>>
    %dma_wait3A_390 = tpu.memref_squeeze %dma_wait3A_389 : memref<1x72x64xf32, #tpu.memory_space<vmem>> -> memref<72x64xf32, #tpu.memory_space<vmem>>
    tpu.wait_dma2 semaphore(%dma_wait3A_384 : memref<!tpu.dma_semaphore, #tpu.memory_space<semaphore_mem>>) src(%dma_wait3A_390 : memref<72x64xf32, #tpu.memory_space<vmem>>) dst(%dma_wait3A_386 : memref<72x64xf32, #tpu.memory_space<hbm>>)
    %dma_wait3A_391 = arith.constant 127 : i32
    %dma_wait3A_392 = arith.constant 3 : i32
    %dma_wait3A_393 = arith.constant 3 : i32
    %dma_wait3A_394 = arith.constant 0 : i32
    %dma_wait3A_395 = arith.constant 0 : i32
    %dma_wait3A_396 = tpu.memref_slice %arg6[%dma_wait3A_392, %dma_wait3A_394, %dma_wait3A_395] : memref<4x128x64xf32, #tpu.memory_space<vmem>> -> memref<1x128x64xf32, #tpu.memory_space<vmem>>
    %dma_wait3A_397 = tpu.memref_squeeze %dma_wait3A_396 : memref<1x128x64xf32, #tpu.memory_space<vmem>> -> memref<128x64xf32, #tpu.memory_space<vmem>>
    %dma_wait3A_398 = arith.constant 0 : i32
    %dma_wait3A_399 = tpu.memref_slice %arg5[%dma_wait3A_391, %dma_wait3A_398] : memref<128x200xi32, #tpu.memory_space<vmem>> -> memref<1x128xi32, #tpu.memory_space<vmem>>
    %dma_wait3A_400 = tpu.memref_squeeze %dma_wait3A_399 : memref<1x128xi32, #tpu.memory_space<vmem>> -> memref<128xi32, #tpu.memory_space<vmem>>
    %dma_wait3A_401 = arith.constant 0 : i32
    %dma_wait3A_402 = arith.constant 0 : i32
    %dma_wait3A_403 = tpu.memref_slice %arg3[%dma_wait3A_401, %dma_wait3A_402] : memref<1000000x64xf32, #tpu.memory_space<hbm>> -> memref<1000000x64xf32, #tpu.memory_space<hbm>>
    %dma_wait3A_404 = tpu.memref_slice %arg8[%dma_wait3A_393] : memref<4x!tpu.dma_semaphore, #tpu.memory_space<semaphore_mem>> -> memref<1x!tpu.dma_semaphore, #tpu.memory_space<semaphore_mem>>
    %dma_wait3A_405 = tpu.memref_squeeze %dma_wait3A_404 : memref<1x!tpu.dma_semaphore, #tpu.memory_space<semaphore_mem>> -> memref<!tpu.dma_semaphore, #tpu.memory_space<semaphore_mem>>
    tpu.wait_indirect_dma semaphore(%dma_wait3A_405 : memref<!tpu.dma_semaphore, #tpu.memory_space<semaphore_mem>>) src(%dma_wait3A_403 : memref<1000000x64xf32, #tpu.memory_space<hbm>>) dst(%dma_wait3A_397 : memref<128x64xf32, #tpu.memory_space<vmem>>)
    %dma_wait3A_406 = arith.constant 127 : i32
    %dma_wait3A_407 = arith.constant 3 : i32
    %dma_wait3A_408 = arith.constant 3 : i32
    %dma_wait3A_409 = arith.constant 0 : i32
    %dma_wait3A_410 = arith.constant 0 : i32
    %dma_wait3A_411 = tpu.memref_slice %arg7[%dma_wait3A_407, %dma_wait3A_409, %dma_wait3A_410] : memref<4x72x64xf32, #tpu.memory_space<vmem>> -> memref<1x72x64xf32, #tpu.memory_space<vmem>>
    %dma_wait3A_412 = tpu.memref_squeeze %dma_wait3A_411 : memref<1x72x64xf32, #tpu.memory_space<vmem>> -> memref<72x64xf32, #tpu.memory_space<vmem>>
    %dma_wait3A_413 = arith.constant 128 : i32
    %dma_wait3A_414 = tpu.memref_slice %arg5[%dma_wait3A_406, %dma_wait3A_413] : memref<128x200xi32, #tpu.memory_space<vmem>> -> memref<1x72xi32, #tpu.memory_space<vmem>>
    %dma_wait3A_415 = tpu.memref_squeeze %dma_wait3A_414 : memref<1x72xi32, #tpu.memory_space<vmem>> -> memref<72xi32, #tpu.memory_space<vmem>>
    %dma_wait3A_416 = arith.constant 0 : i32
    %dma_wait3A_417 = arith.constant 0 : i32
    %dma_wait3A_418 = tpu.memref_slice %arg3[%dma_wait3A_416, %dma_wait3A_417] : memref<1000000x64xf32, #tpu.memory_space<hbm>> -> memref<1000000x64xf32, #tpu.memory_space<hbm>>
    %dma_wait3A_419 = tpu.memref_slice %arg8[%dma_wait3A_408] : memref<4x!tpu.dma_semaphore, #tpu.memory_space<semaphore_mem>> -> memref<1x!tpu.dma_semaphore, #tpu.memory_space<semaphore_mem>>
    %dma_wait3A_420 = tpu.memref_squeeze %dma_wait3A_419 : memref<1x!tpu.dma_semaphore, #tpu.memory_space<semaphore_mem>> -> memref<!tpu.dma_semaphore, #tpu.memory_space<semaphore_mem>>
    tpu.wait_indirect_dma semaphore(%dma_wait3A_420 : memref<!tpu.dma_semaphore, #tpu.memory_space<semaphore_mem>>) src(%dma_wait3A_418 : memref<1000000x64xf32, #tpu.memory_space<hbm>>) dst(%dma_wait3A_412 : memref<72x64xf32, #tpu.memory_space<vmem>>)
    %add3A_421 = arith.constant 127 : i32
    %add3A_422 = arith.addi %mul3A_2, %add3A_421 : i32
    %mul3A_423 = arith.constant 200 : i32
    %mul3A_424 = arith.muli %add3A_422, %mul3A_423 : i32
    %add3A_425 = arith.constant 0 : i32
    %add3A_426 = arith.addi %mul3A_424, %add3A_425 : i32
    %dma_start3A_427 = arith.constant 3 : i32
    %dma_start3A_428 = arith.constant 3 : i32
    %dma_start3A_429 = arith.constant 0 : i32
    %dma_start3A_430 = arith.constant 0 : i32
    %dma_start3A_431 = tpu.memref_slice %arg6[%dma_start3A_427, %dma_start3A_429, %dma_start3A_430] : memref<4x128x64xf32, #tpu.memory_space<vmem>> -> memref<1x128x64xf32, #tpu.memory_space<vmem>>
    %dma_start3A_432 = tpu.memref_squeeze %dma_start3A_431 : memref<1x128x64xf32, #tpu.memory_space<vmem>> -> memref<128x64xf32, #tpu.memory_space<vmem>>
    %dma_start3A_433 = arith.constant 0 : i32
    %dma_start3A_434 = tpu.memref_slice %arg4[%add3A_426, %dma_start3A_433] : memref<819200x128xf32, #tpu.memory_space<hbm>> -> memref<128x64xf32, #tpu.memory_space<hbm>>
    %dma_start3A_435 = tpu.memref_slice %arg9[%dma_start3A_428] : memref<4x!tpu.dma_semaphore, #tpu.memory_space<semaphore_mem>> -> memref<1x!tpu.dma_semaphore, #tpu.memory_space<semaphore_mem>>
    %dma_start3A_436 = tpu.memref_squeeze %dma_start3A_435 : memref<1x!tpu.dma_semaphore, #tpu.memory_space<semaphore_mem>> -> memref<!tpu.dma_semaphore, #tpu.memory_space<semaphore_mem>>
    %dma_start3A_437 = arith.constant 0 : i32
    %dma_start3A_438 = tpu.memref_slice %arg4[%add3A_426, %dma_start3A_437] : memref<819200x128xf32, #tpu.memory_space<hbm>> -> memref<128x64xf32, #tpu.memory_space<hbm>>
    %dma_start3A_439 = arith.constant 0 : i32
    %dma_start3A_440 = arith.constant 0 : i32
    %dma_start3A_441 = tpu.memref_slice %arg6[%dma_start3A_427, %dma_start3A_439, %dma_start3A_440] : memref<4x128x64xf32, #tpu.memory_space<vmem>> -> memref<1x128x64xf32, #tpu.memory_space<vmem>>
    %dma_start3A_442 = tpu.memref_squeeze %dma_start3A_441 : memref<1x128x64xf32, #tpu.memory_space<vmem>> -> memref<128x64xf32, #tpu.memory_space<vmem>>
    tpu.enqueue_dma source(%dma_start3A_442 : memref<128x64xf32, #tpu.memory_space<vmem>>) target(%dma_start3A_438 : memref<128x64xf32, #tpu.memory_space<hbm>>) target_semaphore(%dma_start3A_436 : memref<!tpu.dma_semaphore, #tpu.memory_space<semaphore_mem>>)
    %add3A_443 = arith.constant 127 : i32
    %add3A_444 = arith.addi %mul3A_2, %add3A_443 : i32
    %mul3A_445 = arith.constant 200 : i32
    %mul3A_446 = arith.muli %add3A_444, %mul3A_445 : i32
    %add3A_447 = arith.constant 128 : i32
    %add3A_448 = arith.addi %mul3A_446, %add3A_447 : i32
    %dma_start3A_449 = arith.constant 3 : i32
    %dma_start3A_450 = arith.constant 3 : i32
    %dma_start3A_451 = arith.constant 0 : i32
    %dma_start3A_452 = arith.constant 0 : i32
    %dma_start3A_453 = tpu.memref_slice %arg7[%dma_start3A_449, %dma_start3A_451, %dma_start3A_452] : memref<4x72x64xf32, #tpu.memory_space<vmem>> -> memref<1x72x64xf32, #tpu.memory_space<vmem>>
    %dma_start3A_454 = tpu.memref_squeeze %dma_start3A_453 : memref<1x72x64xf32, #tpu.memory_space<vmem>> -> memref<72x64xf32, #tpu.memory_space<vmem>>
    %dma_start3A_455 = arith.constant 0 : i32
    %dma_start3A_456 = tpu.memref_slice %arg4[%add3A_448, %dma_start3A_455] : memref<819200x128xf32, #tpu.memory_space<hbm>> -> memref<72x64xf32, #tpu.memory_space<hbm>>
    %dma_start3A_457 = tpu.memref_slice %arg9[%dma_start3A_450] : memref<4x!tpu.dma_semaphore, #tpu.memory_space<semaphore_mem>> -> memref<1x!tpu.dma_semaphore, #tpu.memory_space<semaphore_mem>>
    %dma_start3A_458 = tpu.memref_squeeze %dma_start3A_457 : memref<1x!tpu.dma_semaphore, #tpu.memory_space<semaphore_mem>> -> memref<!tpu.dma_semaphore, #tpu.memory_space<semaphore_mem>>
    %dma_start3A_459 = arith.constant 0 : i32
    %dma_start3A_460 = tpu.memref_slice %arg4[%add3A_448, %dma_start3A_459] : memref<819200x128xf32, #tpu.memory_space<hbm>> -> memref<72x64xf32, #tpu.memory_space<hbm>>
    %dma_start3A_461 = arith.constant 0 : i32
    %dma_start3A_462 = arith.constant 0 : i32
    %dma_start3A_463 = tpu.memref_slice %arg7[%dma_start3A_449, %dma_start3A_461, %dma_start3A_462] : memref<4x72x64xf32, #tpu.memory_space<vmem>> -> memref<1x72x64xf32, #tpu.memory_space<vmem>>
    %dma_start3A_464 = tpu.memref_squeeze %dma_start3A_463 : memref<1x72x64xf32, #tpu.memory_space<vmem>> -> memref<72x64xf32, #tpu.memory_space<vmem>>
    tpu.enqueue_dma source(%dma_start3A_464 : memref<72x64xf32, #tpu.memory_space<vmem>>) target(%dma_start3A_460 : memref<72x64xf32, #tpu.memory_space<hbm>>) target_semaphore(%dma_start3A_458 : memref<!tpu.dma_semaphore, #tpu.memory_space<semaphore_mem>>)
    %add3A_465 = arith.constant 125 : i32
    %add3A_466 = arith.addi %mul3A_2, %add3A_465 : i32
    %mul3A_467 = arith.constant 200 : i32
    %mul3A_468 = arith.muli %add3A_466, %mul3A_467 : i32
    %add3A_469 = arith.constant 0 : i32
    %add3A_470 = arith.addi %mul3A_468, %add3A_469 : i32
    %dma_wait3A_471 = arith.constant 1 : i32
    %dma_wait3A_472 = arith.constant 1 : i32
    %dma_wait3A_473 = arith.constant 0 : i32
    %dma_wait3A_474 = arith.constant 0 : i32
    %dma_wait3A_475 = tpu.memref_slice %arg6[%dma_wait3A_471, %dma_wait3A_473, %dma_wait3A_474] : memref<4x128x64xf32, #tpu.memory_space<vmem>> -> memref<1x128x64xf32, #tpu.memory_space<vmem>>
    %dma_wait3A_476 = tpu.memref_squeeze %dma_wait3A_475 : memref<1x128x64xf32, #tpu.memory_space<vmem>> -> memref<128x64xf32, #tpu.memory_space<vmem>>
    %dma_wait3A_477 = arith.constant 0 : i32
    %dma_wait3A_478 = tpu.memref_slice %arg4[%add3A_470, %dma_wait3A_477] : memref<819200x128xf32, #tpu.memory_space<hbm>> -> memref<128x64xf32, #tpu.memory_space<hbm>>
    %dma_wait3A_479 = tpu.memref_slice %arg9[%dma_wait3A_472] : memref<4x!tpu.dma_semaphore, #tpu.memory_space<semaphore_mem>> -> memref<1x!tpu.dma_semaphore, #tpu.memory_space<semaphore_mem>>
    %dma_wait3A_480 = tpu.memref_squeeze %dma_wait3A_479 : memref<1x!tpu.dma_semaphore, #tpu.memory_space<semaphore_mem>> -> memref<!tpu.dma_semaphore, #tpu.memory_space<semaphore_mem>>
    %dma_wait3A_481 = arith.constant 0 : i32
    %dma_wait3A_482 = tpu.memref_slice %arg4[%add3A_470, %dma_wait3A_481] : memref<819200x128xf32, #tpu.memory_space<hbm>> -> memref<128x64xf32, #tpu.memory_space<hbm>>
    %dma_wait3A_483 = arith.constant 0 : i32
    %dma_wait3A_484 = arith.constant 0 : i32
    %dma_wait3A_485 = tpu.memref_slice %arg6[%dma_wait3A_471, %dma_wait3A_483, %dma_wait3A_484] : memref<4x128x64xf32, #tpu.memory_space<vmem>> -> memref<1x128x64xf32, #tpu.memory_space<vmem>>
    %dma_wait3A_486 = tpu.memref_squeeze %dma_wait3A_485 : memref<1x128x64xf32, #tpu.memory_space<vmem>> -> memref<128x64xf32, #tpu.memory_space<vmem>>
    tpu.wait_dma2 semaphore(%dma_wait3A_480 : memref<!tpu.dma_semaphore, #tpu.memory_space<semaphore_mem>>) src(%dma_wait3A_486 : memref<128x64xf32, #tpu.memory_space<vmem>>) dst(%dma_wait3A_482 : memref<128x64xf32, #tpu.memory_space<hbm>>)
    %add3A_487 = arith.constant 125 : i32
    %add3A_488 = arith.addi %mul3A_2, %add3A_487 : i32
    %mul3A_489 = arith.constant 200 : i32
    %mul3A_490 = arith.muli %add3A_488, %mul3A_489 : i32
    %add3A_491 = arith.constant 128 : i32
    %add3A_492 = arith.addi %mul3A_490, %add3A_491 : i32
    %dma_wait3A_493 = arith.constant 1 : i32
    %dma_wait3A_494 = arith.constant 1 : i32
    %dma_wait3A_495 = arith.constant 0 : i32
    %dma_wait3A_496 = arith.constant 0 : i32
    %dma_wait3A_497 = tpu.memref_slice %arg7[%dma_wait3A_493, %dma_wait3A_495, %dma_wait3A_496] : memref<4x72x64xf32, #tpu.memory_space<vmem>> -> memref<1x72x64xf32, #tpu.memory_space<vmem>>
    %dma_wait3A_498 = tpu.memref_squeeze %dma_wait3A_497 : memref<1x72x64xf32, #tpu.memory_space<vmem>> -> memref<72x64xf32, #tpu.memory_space<vmem>>
    %dma_wait3A_499 = arith.constant 0 : i32
    %dma_wait3A_500 = tpu.memref_slice %arg4[%add3A_492, %dma_wait3A_499] : memref<819200x128xf32, #tpu.memory_space<hbm>> -> memref<72x64xf32, #tpu.memory_space<hbm>>
    %dma_wait3A_501 = tpu.memref_slice %arg9[%dma_wait3A_494] : memref<4x!tpu.dma_semaphore, #tpu.memory_space<semaphore_mem>> -> memref<1x!tpu.dma_semaphore, #tpu.memory_space<semaphore_mem>>
    %dma_wait3A_502 = tpu.memref_squeeze %dma_wait3A_501 : memref<1x!tpu.dma_semaphore, #tpu.memory_space<semaphore_mem>> -> memref<!tpu.dma_semaphore, #tpu.memory_space<semaphore_mem>>
    %dma_wait3A_503 = arith.constant 0 : i32
    %dma_wait3A_504 = tpu.memref_slice %arg4[%add3A_492, %dma_wait3A_503] : memref<819200x128xf32, #tpu.memory_space<hbm>> -> memref<72x64xf32, #tpu.memory_space<hbm>>
    %dma_wait3A_505 = arith.constant 0 : i32
    %dma_wait3A_506 = arith.constant 0 : i32
    %dma_wait3A_507 = tpu.memref_slice %arg7[%dma_wait3A_493, %dma_wait3A_505, %dma_wait3A_506] : memref<4x72x64xf32, #tpu.memory_space<vmem>> -> memref<1x72x64xf32, #tpu.memory_space<vmem>>
    %dma_wait3A_508 = tpu.memref_squeeze %dma_wait3A_507 : memref<1x72x64xf32, #tpu.memory_space<vmem>> -> memref<72x64xf32, #tpu.memory_space<vmem>>
    tpu.wait_dma2 semaphore(%dma_wait3A_502 : memref<!tpu.dma_semaphore, #tpu.memory_space<semaphore_mem>>) src(%dma_wait3A_508 : memref<72x64xf32, #tpu.memory_space<vmem>>) dst(%dma_wait3A_504 : memref<72x64xf32, #tpu.memory_space<hbm>>)
    %add3A_509 = arith.constant 126 : i32
    %add3A_510 = arith.addi %mul3A_2, %add3A_509 : i32
    %mul3A_511 = arith.constant 200 : i32
    %mul3A_512 = arith.muli %add3A_510, %mul3A_511 : i32
    %add3A_513 = arith.constant 0 : i32
    %add3A_514 = arith.addi %mul3A_512, %add3A_513 : i32
    %dma_wait3A_515 = arith.constant 2 : i32
    %dma_wait3A_516 = arith.constant 2 : i32
    %dma_wait3A_517 = arith.constant 0 : i32
    %dma_wait3A_518 = arith.constant 0 : i32
    %dma_wait3A_519 = tpu.memref_slice %arg6[%dma_wait3A_515, %dma_wait3A_517, %dma_wait3A_518] : memref<4x128x64xf32, #tpu.memory_space<vmem>> -> memref<1x128x64xf32, #tpu.memory_space<vmem>>
    %dma_wait3A_520 = tpu.memref_squeeze %dma_wait3A_519 : memref<1x128x64xf32, #tpu.memory_space<vmem>> -> memref<128x64xf32, #tpu.memory_space<vmem>>
    %dma_wait3A_521 = arith.constant 0 : i32
    %dma_wait3A_522 = tpu.memref_slice %arg4[%add3A_514, %dma_wait3A_521] : memref<819200x128xf32, #tpu.memory_space<hbm>> -> memref<128x64xf32, #tpu.memory_space<hbm>>
    %dma_wait3A_523 = tpu.memref_slice %arg9[%dma_wait3A_516] : memref<4x!tpu.dma_semaphore, #tpu.memory_space<semaphore_mem>> -> memref<1x!tpu.dma_semaphore, #tpu.memory_space<semaphore_mem>>
    %dma_wait3A_524 = tpu.memref_squeeze %dma_wait3A_523 : memref<1x!tpu.dma_semaphore, #tpu.memory_space<semaphore_mem>> -> memref<!tpu.dma_semaphore, #tpu.memory_space<semaphore_mem>>
    %dma_wait3A_525 = arith.constant 0 : i32
    %dma_wait3A_526 = tpu.memref_slice %arg4[%add3A_514, %dma_wait3A_525] : memref<819200x128xf32, #tpu.memory_space<hbm>> -> memref<128x64xf32, #tpu.memory_space<hbm>>
    %dma_wait3A_527 = arith.constant 0 : i32
    %dma_wait3A_528 = arith.constant 0 : i32
    %dma_wait3A_529 = tpu.memref_slice %arg6[%dma_wait3A_515, %dma_wait3A_527, %dma_wait3A_528] : memref<4x128x64xf32, #tpu.memory_space<vmem>> -> memref<1x128x64xf32, #tpu.memory_space<vmem>>
    %dma_wait3A_530 = tpu.memref_squeeze %dma_wait3A_529 : memref<1x128x64xf32, #tpu.memory_space<vmem>> -> memref<128x64xf32, #tpu.memory_space<vmem>>
    tpu.wait_dma2 semaphore(%dma_wait3A_524 : memref<!tpu.dma_semaphore, #tpu.memory_space<semaphore_mem>>) src(%dma_wait3A_530 : memref<128x64xf32, #tpu.memory_space<vmem>>) dst(%dma_wait3A_526 : memref<128x64xf32, #tpu.memory_space<hbm>>)
    %add3A_531 = arith.constant 126 : i32
    %add3A_532 = arith.addi %mul3A_2, %add3A_531 : i32
    %mul3A_533 = arith.constant 200 : i32
    %mul3A_534 = arith.muli %add3A_532, %mul3A_533 : i32
    %add3A_535 = arith.constant 128 : i32
    %add3A_536 = arith.addi %mul3A_534, %add3A_535 : i32
    %dma_wait3A_537 = arith.constant 2 : i32
    %dma_wait3A_538 = arith.constant 2 : i32
    %dma_wait3A_539 = arith.constant 0 : i32
    %dma_wait3A_540 = arith.constant 0 : i32
    %dma_wait3A_541 = tpu.memref_slice %arg7[%dma_wait3A_537, %dma_wait3A_539, %dma_wait3A_540] : memref<4x72x64xf32, #tpu.memory_space<vmem>> -> memref<1x72x64xf32, #tpu.memory_space<vmem>>
    %dma_wait3A_542 = tpu.memref_squeeze %dma_wait3A_541 : memref<1x72x64xf32, #tpu.memory_space<vmem>> -> memref<72x64xf32, #tpu.memory_space<vmem>>
    %dma_wait3A_543 = arith.constant 0 : i32
    %dma_wait3A_544 = tpu.memref_slice %arg4[%add3A_536, %dma_wait3A_543] : memref<819200x128xf32, #tpu.memory_space<hbm>> -> memref<72x64xf32, #tpu.memory_space<hbm>>
    %dma_wait3A_545 = tpu.memref_slice %arg9[%dma_wait3A_538] : memref<4x!tpu.dma_semaphore, #tpu.memory_space<semaphore_mem>> -> memref<1x!tpu.dma_semaphore, #tpu.memory_space<semaphore_mem>>
    %dma_wait3A_546 = tpu.memref_squeeze %dma_wait3A_545 : memref<1x!tpu.dma_semaphore, #tpu.memory_space<semaphore_mem>> -> memref<!tpu.dma_semaphore, #tpu.memory_space<semaphore_mem>>
    %dma_wait3A_547 = arith.constant 0 : i32
    %dma_wait3A_548 = tpu.memref_slice %arg4[%add3A_536, %dma_wait3A_547] : memref<819200x128xf32, #tpu.memory_space<hbm>> -> memref<72x64xf32, #tpu.memory_space<hbm>>
    %dma_wait3A_549 = arith.constant 0 : i32
    %dma_wait3A_550 = arith.constant 0 : i32
    %dma_wait3A_551 = tpu.memref_slice %arg7[%dma_wait3A_537, %dma_wait3A_549, %dma_wait3A_550] : memref<4x72x64xf32, #tpu.memory_space<vmem>> -> memref<1x72x64xf32, #tpu.memory_space<vmem>>
    %dma_wait3A_552 = tpu.memref_squeeze %dma_wait3A_551 : memref<1x72x64xf32, #tpu.memory_space<vmem>> -> memref<72x64xf32, #tpu.memory_space<vmem>>
    tpu.wait_dma2 semaphore(%dma_wait3A_546 : memref<!tpu.dma_semaphore, #tpu.memory_space<semaphore_mem>>) src(%dma_wait3A_552 : memref<72x64xf32, #tpu.memory_space<vmem>>) dst(%dma_wait3A_548 : memref<72x64xf32, #tpu.memory_space<hbm>>)
    %add3A_553 = arith.constant 127 : i32
    %add3A_554 = arith.addi %mul3A_2, %add3A_553 : i32
    %mul3A_555 = arith.constant 200 : i32
    %mul3A_556 = arith.muli %add3A_554, %mul3A_555 : i32
    %add3A_557 = arith.constant 0 : i32
    %add3A_558 = arith.addi %mul3A_556, %add3A_557 : i32
    %dma_wait3A_559 = arith.constant 3 : i32
    %dma_wait3A_560 = arith.constant 3 : i32
    %dma_wait3A_561 = arith.constant 0 : i32
    %dma_wait3A_562 = arith.constant 0 : i32
    %dma_wait3A_563 = tpu.memref_slice %arg6[%dma_wait3A_559, %dma_wait3A_561, %dma_wait3A_562] : memref<4x128x64xf32, #tpu.memory_space<vmem>> -> memref<1x128x64xf32, #tpu.memory_space<vmem>>
    %dma_wait3A_564 = tpu.memref_squeeze %dma_wait3A_563 : memref<1x128x64xf32, #tpu.memory_space<vmem>> -> memref<128x64xf32, #tpu.memory_space<vmem>>
    %dma_wait3A_565 = arith.constant 0 : i32
    %dma_wait3A_566 = tpu.memref_slice %arg4[%add3A_558, %dma_wait3A_565] : memref<819200x128xf32, #tpu.memory_space<hbm>> -> memref<128x64xf32, #tpu.memory_space<hbm>>
    %dma_wait3A_567 = tpu.memref_slice %arg9[%dma_wait3A_560] : memref<4x!tpu.dma_semaphore, #tpu.memory_space<semaphore_mem>> -> memref<1x!tpu.dma_semaphore, #tpu.memory_space<semaphore_mem>>
    %dma_wait3A_568 = tpu.memref_squeeze %dma_wait3A_567 : memref<1x!tpu.dma_semaphore, #tpu.memory_space<semaphore_mem>> -> memref<!tpu.dma_semaphore, #tpu.memory_space<semaphore_mem>>
    %dma_wait3A_569 = arith.constant 0 : i32
    %dma_wait3A_570 = tpu.memref_slice %arg4[%add3A_558, %dma_wait3A_569] : memref<819200x128xf32, #tpu.memory_space<hbm>> -> memref<128x64xf32, #tpu.memory_space<hbm>>
    %dma_wait3A_571 = arith.constant 0 : i32
    %dma_wait3A_572 = arith.constant 0 : i32
    %dma_wait3A_573 = tpu.memref_slice %arg6[%dma_wait3A_559, %dma_wait3A_571, %dma_wait3A_572] : memref<4x128x64xf32, #tpu.memory_space<vmem>> -> memref<1x128x64xf32, #tpu.memory_space<vmem>>
    %dma_wait3A_574 = tpu.memref_squeeze %dma_wait3A_573 : memref<1x128x64xf32, #tpu.memory_space<vmem>> -> memref<128x64xf32, #tpu.memory_space<vmem>>
    tpu.wait_dma2 semaphore(%dma_wait3A_568 : memref<!tpu.dma_semaphore, #tpu.memory_space<semaphore_mem>>) src(%dma_wait3A_574 : memref<128x64xf32, #tpu.memory_space<vmem>>) dst(%dma_wait3A_570 : memref<128x64xf32, #tpu.memory_space<hbm>>)
    %add3A_575 = arith.constant 127 : i32
    %add3A_576 = arith.addi %mul3A_2, %add3A_575 : i32
    %mul3A_577 = arith.constant 200 : i32
    %mul3A_578 = arith.muli %add3A_576, %mul3A_577 : i32
    %add3A_579 = arith.constant 128 : i32
    %add3A_580 = arith.addi %mul3A_578, %add3A_579 : i32
    %dma_wait3A_581 = arith.constant 3 : i32
    %dma_wait3A_582 = arith.constant 3 : i32
    %dma_wait3A_583 = arith.constant 0 : i32
    %dma_wait3A_584 = arith.constant 0 : i32
    %dma_wait3A_585 = tpu.memref_slice %arg7[%dma_wait3A_581, %dma_wait3A_583, %dma_wait3A_584] : memref<4x72x64xf32, #tpu.memory_space<vmem>> -> memref<1x72x64xf32, #tpu.memory_space<vmem>>
    %dma_wait3A_586 = tpu.memref_squeeze %dma_wait3A_585 : memref<1x72x64xf32, #tpu.memory_space<vmem>> -> memref<72x64xf32, #tpu.memory_space<vmem>>
    %dma_wait3A_587 = arith.constant 0 : i32
    %dma_wait3A_588 = tpu.memref_slice %arg4[%add3A_580, %dma_wait3A_587] : memref<819200x128xf32, #tpu.memory_space<hbm>> -> memref<72x64xf32, #tpu.memory_space<hbm>>
    %dma_wait3A_589 = tpu.memref_slice %arg9[%dma_wait3A_582] : memref<4x!tpu.dma_semaphore, #tpu.memory_space<semaphore_mem>> -> memref<1x!tpu.dma_semaphore, #tpu.memory_space<semaphore_mem>>
    %dma_wait3A_590 = tpu.memref_squeeze %dma_wait3A_589 : memref<1x!tpu.dma_semaphore, #tpu.memory_space<semaphore_mem>> -> memref<!tpu.dma_semaphore, #tpu.memory_space<semaphore_mem>>
    %dma_wait3A_591 = arith.constant 0 : i32
    %dma_wait3A_592 = tpu.memref_slice %arg4[%add3A_580, %dma_wait3A_591] : memref<819200x128xf32, #tpu.memory_space<hbm>> -> memref<72x64xf32, #tpu.memory_space<hbm>>
    %dma_wait3A_593 = arith.constant 0 : i32
    %dma_wait3A_594 = arith.constant 0 : i32
    %dma_wait3A_595 = tpu.memref_slice %arg7[%dma_wait3A_581, %dma_wait3A_593, %dma_wait3A_594] : memref<4x72x64xf32, #tpu.memory_space<vmem>> -> memref<1x72x64xf32, #tpu.memory_space<vmem>>
    %dma_wait3A_596 = tpu.memref_squeeze %dma_wait3A_595 : memref<1x72x64xf32, #tpu.memory_space<vmem>> -> memref<72x64xf32, #tpu.memory_space<vmem>>
    tpu.wait_dma2 semaphore(%dma_wait3A_590 : memref<!tpu.dma_semaphore, #tpu.memory_space<semaphore_mem>>) src(%dma_wait3A_596 : memref<72x64xf32, #tpu.memory_space<vmem>>) dst(%dma_wait3A_592 : memref<72x64xf32, #tpu.memory_space<hbm>>)
    return
  }
}

</mosaic_0001>

<sc_bundles>
// kernel: kernel.3.cloned.1.call-start
scs
__scs_entry_jumppad:
0x0: {  	(pc) =	sbr.rel $0x88, $3  }
0x1: {  	(tag) =	ssettag $0x0;
	lr =	simm.s32 $0x1  }
0x2: {  	[smem:$0x3F9F] =	sst lr;
	_ =	strace $0xD0000000  }
0x3: {  	_ = 	snop  }
0x4: {  	_ = 	snop  }
0x5: {  	_ = 	snop  }
0x6: {  	_ = 	snop  }
0x7: {  	_ = 	snop  }
__scs_overlays_trampoline_lowered:
0x8: {  	[smem:$0x3FAE] =	sst s0  }
0x9: {  	[smem:$0x3FAF] =	sst s1  }
0xa: {  	[smem:$0x3FB0] =	sst s2  }
0xb: {  	[smem:$0x3FB1] =	sst s3  }
0xc: {  	[smem:$0x3FB2] =	sst s4  }
0xd: {  	[smem:$0x3FB3] =	sst s5  }
0xe: {  	[smem:$0x3FB4] =	sst s6  }
0xf: {  	[smem:$0x3FB5] =	sst s7  }
0x10: {  	[smem:$0x3FB6] =	sst s8  }
0x11: {  	[smem:$0x3FB7] =	sst s9;
	s0 =	simm.s32 @!p0 $0x0  }
0x12: {  	s1 =	sld [smem:$0x3F9D];
	s0 =	simm.s32 @p0 $0x1  }
0x13: {  	[smem:$0x3FB8] =	sst s0;
	s0 =	simm.s32 @!p1 $0x0  }
0x14: {  	s2 =	sld [smem:$0x3F9C];
	s0 =	simm.s32 @p1 $0x1  }
0x15: {  	[smem:$0x3FB9] =	sst s0;
	s0 =	simm.s32 @!p2 $0x0  }
0x16: {  	s3 =	sld [smem:$0x3FDB];
	s0 =	simm.s32 @p2 $0x1  }
0x17: {  	s4 =	simm.s32 $0x1BF5;
	[smem:$0x3FBB] =	sst s0  }
0x18: {  	s0 =	sld [smem:$0x3F9E];
	_ =	swait.ge [sflag:s4], $0x0  }
0x19: {  	s7 =	sld [smem:$0x3F9F]  }
0x1a: {  	s8 =	sadd.s32 $0xFFFFE003, lr  }
0x1b: {  	s9 =	sadd.s32 $0xFFFFFEF7, lr;
	s5 =	simm.s32 $0xFFFFFFFF;
	p2 =	slt.u32 s8, $0xFFFFF086  }
0x1c: {  	p1 =	slt.u32 s9, $0xF7A;
	s5 =	simm.s32 @!p2 $0x0  }
0x1d: {  	s5 =	simm.s32 @p1 $0x1;
	p0 =	seq.s32 s7, s2  }
0x1e: {  	s7 =	smul.u32 @!p0 $0xF7A, s2;
	p2 =	seq.s32 @!p0 s5, $0x0  }
0x1f: {  	s9 =	smul.u32 $0xF7A, s1;
	s8 =	simm.s32 @!p0 $0x1BF5;
	p2 =	por !p2, p0  }
0x20: {  	[sflag:s8] =	ssyncset.s32 @!p0 $0xFFFFF086;
	s6 =	sadd.s32 @!p0 s3, s7;
	s7 =	simm.s32 @!p0 $0x108  }
0x21: {  	s3 =	sadd.s32 s3, s9;
	s6 =	sadd.s32 @!p0 $0x88, s6;
	s7 =	simm.s32 @p2 $0x1082  }
0x22: {  	[simem:s7], [sflag:s8] =	dma.local @!p0 [hbm:s6], $0xF7A  }
0x23: {  	s9 =	sor.u32 $0xD0000000, s2;
	s6 =	simm.s32 $0x108;
	_ =	swait.ge @!p0 [sflag:s8], $0x0  }
0x24: {  	s3 =	sadd.s32 $0x88, s3;
	s6 =	simm.s32 @!p1 $0x1082;
	[sflag:s4] =	ssyncset.s32 $0xFFFFF086  }
0x25: {  	[simem:s6], [sflag:s4] =	dma.local [hbm:s3], $0xF7A  }
0x26: {  	[smem:$0x3F9F] =	sst s1;
	(tag) =	ssettag s2;
	_ =	strace s9  }
0x27: {  	s1 =	sld [smem:$0x3FAF]  }
0x28: {  	s2 =	sld [smem:$0x3FB0]  }
0x29: {  	s4 =	sld [smem:$0x3FB2]  }
0x2a: {  	p0 =	seq.s32 s5, $0x0;
	s5 =	sld [smem:$0x3FB3]  }
0x2b: {  	s6 =	sld [smem:$0x3FB4]  }
0x2c: {  	s7 =	sld [smem:$0x3FB5]  }
0x2d: {  	s3 =	simm.s32 $0x108;
	s8 =	sld [smem:$0x3FB6]  }
0x2e: {  	s3 =	simm.s32 @!p0 $0x1082;
	s9 =	sld [smem:$0x3FB7]  }
0x2f: {  	lr =	sadd.s32 s0, s3;
	s0 =	sld [smem:$0x3FAE]  }
0x30: {  	s3 =	sld [smem:$0x3FB1]  }
0x31: {  	[smem:$0x3FBA] =	sst s10  }
0x32: {  	s10 =	sld [smem:$0x3FB8];
	_ =	sdelay $0x3  }
0x33: {  	p0 =	seq.s32 s10, $0x1;
	s10 =	sld [smem:$0x3FBA];
	_ =	sdelay $0x3  }
0x34: {  	[smem:$0x3FBA] =	sst s10  }
0x35: {  	s10 =	sld [smem:$0x3FB9];
	_ =	sdelay $0x3  }
0x36: {  	p1 =	seq.s32 s10, $0x1;
	s10 =	sld [smem:$0x3FBA];
	_ =	sdelay $0x3  }
0x37: {  	[smem:$0x3FBA] =	sst s10  }
0x38: {  	s10 =	sld [smem:$0x3FBB]  }
0x39: {  	_ = 	snop;
	(pc) =	sbr.ind lr, $3  }
0x3a: {  	_ = 	snop  }
0x3b: {  	_ = 	snop  }
0x3c: {  	p2 =	seq.s32 s10, $0x1;
	s10 =	sld [smem:$0x3FBA]  }
0x3d: {  	_ =	shalt  }
0x3e: {  	_ =	shalt  }
0x3f: {  	_ =	shalt  }
0x40: {  	_ =	shalt  }
0x41: {  	_ =	shalt  }
0x42: {  	_ =	shalt  }
0x43: {  	_ =	shalt  }
0x44: {  	_ =	shalt  }
0x45: {  	_ =	shalt  }
0x46: {  	_ =	shalt  }
0x47: {  	_ =	shalt  }
0x48: {  	_ =	shalt  }
0x49: {  	_ =	shalt  }
0x4a: {  	_ =	shalt  }
0x4b: {  	_ =	shalt  }
0x4c: {  	_ =	shalt  }
0x4d: {  	_ =	shalt  }
0x4e: {  	_ =	shalt  }
0x4f: {  	_ =	shalt  }
0x50: {  	_ =	shalt  }
0x51: {  	_ =	shalt  }
0x52: {  	_ =	shalt  }
0x53: {  	_ =	shalt  }
0x54: {  	_ =	shalt  }
0x55: {  	_ =	shalt  }
0x56: {  	_ =	shalt  }
0x57: {  	_ =	shalt  }
0x58: {  	_ =	shalt  }
0x59: {  	_ =	shalt  }
0x5a: {  	_ =	shalt  }
0x5b: {  	_ =	shalt  }
0x5c: {  	_ =	shalt  }
0x5d: {  	_ =	shalt  }
0x5e: {  	_ =	shalt  }
0x5f: {  	_ =	shalt  }
0x60: {  	_ =	shalt  }
0x61: {  	_ =	shalt  }
0x62: {  	_ =	shalt  }
0x63: {  	_ =	shalt  }
0x64: {  	_ =	shalt  }
0x65: {  	_ =	shalt  }
0x66: {  	_ =	shalt  }
0x67: {  	_ =	shalt  }
0x68: {  	_ =	shalt  }
0x69: {  	_ =	shalt  }
0x6a: {  	_ =	shalt  }
0x6b: {  	_ =	shalt  }
0x6c: {  	_ =	shalt  }
0x6d: {  	_ =	shalt  }
0x6e: {  	_ =	shalt  }
0x6f: {  	_ =	shalt  }
0x70: {  	_ =	shalt  }
0x71: {  	_ =	shalt  }
0x72: {  	_ =	shalt  }
0x73: {  	_ =	shalt  }
0x74: {  	_ =	shalt  }
0x75: {  	_ =	shalt  }
0x76: {  	_ =	shalt  }
0x77: {  	_ =	shalt  }
0x78: {  	_ =	shalt  }
0x79: {  	_ =	shalt  }
0x7a: {  	_ =	shalt  }
0x7b: {  	_ =	shalt  }
0x7c: {  	_ =	shalt  }
0x7d: {  	_ =	shalt  }
0x7e: {  	_ =	shalt  }
0x7f: {  	_ =	shalt  }
0x80: {  	_ =	shalt  }
0x81: {  	_ =	shalt  }
0x82: {  	_ =	shalt  }
0x83: {  	_ =	shalt  }
0x84: {  	_ =	shalt  }
0x85: {  	_ =	shalt  }
0x86: {  	_ =	shalt  }
0x87: {  	_ =	shalt  }
.Lfunc_end0:
.L_simem_size_0:
called_computation.1_lowered:
.L_overlay_start_0:
0x88: {  	s2 =	sld [smem:$0x3FD9]  }
0x89: {  	s3 =	sld [smem:$0x3FFE];
	_ =	sdelay $0x1  }
0x8a: {  	s1 =	srdreg.scid  }
0x8b: {  	s0 =	sand.u32 $0x1, s1  }
0x8c: {  	s17 =	sshll.u32 s0, $0xA;
	s2 =	sadd.s32 s3, s2  }
0x8d: {  	s2 =	sadd.s32 s2, s17  }
0x8e: {  	[smem:$0x3FC6] =	sst s2  }
0x8f: {  	_ = 	snop  }
0x90: {  	s2 =	sld [smem:$0x3FD0];
	(tm) =	ssettm $0x1  }
0x91: {  	s18 =	sld [smem:$0x3FFB];
	_ =	sdelay $0x3  }
0x92: {  	_ =	strace s18  }
0x93: {  	s3 =	sld [smem:$0x3FFC];
	_ =	sdelay $0x3  }
0x94: {  	_ =	strace s3  }
0x95: {  	s3 =	sld [smem:$0x3FFD];
	_ =	sdelay $0x3  }
0x96: {  	_ =	strace s3  }
0x97: {  	_ =	strace $0x8FFFFFFF  }
0x98: {  	s19 =	sld [smem:$0x3FDB];
	_ =	sdelay $0x1  }
0x99: {  	s4 =	simm.s32 $_scs_section_size  }
0x9a: {  	s5 =	simm.s32 $_size__tile_overlayer_lowered;
	s6 =	simm.s32 $_tile_overlayer_lowered  }
0x9b: {  	s22 =	simm.s32 $0x1BFF;
	s21 =	sshll.u32 s6, $0x1;
	s3 =	sadd.s32 s4, s19  }
0x9c: {  	s7 =	simm.s32 $0x0;
	s20 =	sshll.u32 s5, $0x1;
	s5 =	sadd.s32 s21, s3  }
0x9d: {  	[timem:s7], [sflag:s22] =	dma.local [hbm:s5], s20  }
0x9e: {  	_ =	swait.ge [sflag:s22], s20  }
0x9f: {  	s4 =	ssub.s32 $0x0, s20;
	[sflag:s22] =	ssyncset.done $0x0  }
0xa0: {  	[sflag:s22] =	ssyncadd.s32 s4;
	_ =	sdelay $0x1  }
0xa1: {  	s23 =	simm.s32 $0x1B8B  }
0xa2: {  	_ =	swait.ge [sflag:s23], $0x1  }
0xa3: {  	[sflag:s23] =	ssyncset.done $0x0  }
0xa4: {  	s25 =	simm.s32 $0x1B8E;
	s24 =	sld [smem:$0x3FFE];
	[sflag:s23] =	ssyncadd.s32 $0xFFFFFFFF  }
0xa5: {  	s26 =	simm.s32 $execute0_lowered;
	[smem:$0x3FD2] =	sst s25  }
0xa6: {  	s5 =	sshll.u32 s26, $0x1;
	_ =	strace $0x80000046;
	[dreg:$0x1] =	wrdreg $0xFFFFFFFF  }
0xa7: {  	s28 =	simm.s32 $_size_execute0_lowered;
	s3 =	sadd.s32 s3, s5;
	[dreg:$0x0] =	wrdreg $0x0  }
0xa8: {  	s5 =	sshll.u32 s28, $0x1;
	[dreg:$0x2] =	wrdreg s3  }
0xa9: {  	[dreg:$0x3] =	wrdreg s5  }
0xaa: {  	[dreg:$0x4] =	wrdreg $0xC0  }
0xab: {  	_ =	task [dreg:s7], $0x5FFFF  }
0xac: {  	[dreg:$0x1] =	wrdreg $0xFFFFFFFF  }
0xad: {  	[dreg:$0x0] =	wrdreg $0x60  }
0xae: {  	[dreg:$0x2] =	wrdreg s2  }
0xaf: {  	[dreg:$0x3] =	wrdreg s24  }
0xb0: {  	[dreg:$0x4] =	wrdreg $0x9  }
0xb1: {  	_ =	task.clear_ibuf [dreg:s7], $0x5FFFF;
	_ =	strace $0x90000046  }
0xb2: {  	s29 =	simm.s32 $0x9;
	_ =	strace $0x80000048  }
0xb3: {  	_ =	swait.ge [sflag:s29], $0x1  }
0xb4: {  	[sflag:s29] =	ssyncadd.s32 $0xFFFFFFFF  }
0xb5: {  	_ =	strace $0x90000048  }
0xb6: {  	_ =	sfence  }
0xb7: {  	s30 =	sld [smem:$0x0];
	_ =	sdelay $0x2  }
0xb8: {  	s31 =	sshll.u32 s1, $0xD;
	s1 =	sshrl.u32 s1, $0x2  }
0xb9: {  	s3 =	sand.u32 $0x4000, s31;
	s1 =	sadd.s32 s1, s30  }
0xba: {  	s0 =	sor.u32 s3, s0;
	s1 =	sshll.u32 s1, $0x11  }
0xbb: {  	s0 =	sor.u32 s1, s0  }
0xbc: {  	s0 =	sadd.s32 $0x8F2B, s0  }
0xbd: {  	[sflag:s0] =	ssyncadd.remote.s32 $0x1  }
0xbe: {  	_ =	sfence.sel $0xFFFF  }
0xbf: {  	[dreg:$0x0] =	wrdreg $0xFFFFFFFF;
	(pc) =	sbr.abs _section_cstart, $3  }
0xc0: {  	[dreg:$0x1] =	wrdreg $0xFFFFFFFF  }
0xc1: {  	_ =	task.clear_ibuf [dreg:s7], $0x2FFFF;
	_ =	strace $0x9FFFFFFF  }
0xc2: {  	(tm) =	ssettm $0x7FFFFFFF  }
0xc3: {  	_ =	shalt  }
tec
execute0_lowered:
.L_overlay_start_1:
0x0: {  	(tag) =	ssettag $0x1  }
0x1: {  	s0 =	rddreg [dreg:$0x0]  }
0x2: {  	s1 =	rddreg [dreg:$0x1]  }
0x3: {  	s2 =	srdreg.scid;
	s10 =	stileid.u32  }
0x4: {  	s4 =	simm.s32 $0x0;
	s29 =	simm.s32 $0x10800;
	s9 =	smul.u32 $0x640000, s10  }
0x5: {  	s30 =	simm.s32 $0x2;
	s2 =	sand.u32 $0x1, s2;
	s20 =	smul.u32 $0xC8000, s10  }
0x6: {  	s3 =	sshll.u32 s10, $0x1;
	[smem:$0x7FF] =	sst s4;
	s14 =	smul.u32 $0x320000, s2  }
0x7: {  	s13 =	sor.u32 s2, s3;
	s5 =	ssub.s32 $0x2, s2;
	s2 =	smul.u32 $0x64000, s2  }
0x8: {  	s28 =	simm.s32 $0x4;
	_ =	strace $0x80000047;
	s6 =	smul.u32 $0xC80, s13  }
0x9: {  	s31 =	simm.s32 $0x6;
	s3 =	sadd.s32 $0xF42E00, s1;
	s8 =	smul.u32 $0x64000, s13  }
0xa: {  	s1 =	sadd.s32 $0xA00, s1;
	s7 =	sshrl.u32 s5, $0x1;
	s4 =	smul.u32 $0x320000, s13  }
0xb: {  	s7 =	ssub.s32 s5, s7;
	s0 =	sadd.s32 s0, s6;
	s5 =	sadd.s32 s1, s8  }
0xc: {  	s4 =	sshrl.u32 s4, $0x3;
	s8 =	sadd.s32 s20, s1;
	s13 =	smax.u32 s7, $0x1  }
0xd: {  	s20 =	simm.s32 $0x8400;
	[dreg:$0x8] =	wrdreg s0;
	s15 =	sadd.s32 $0x800, s5  }
0xe: {  	s16 =	sadd.s32 $0xC80, s5;
	s17 =	sadd.s32 $0x1480, s5;
	[dreg:$0x9] =	wrdreg s15  }
0xf: {  	s18 =	sadd.s32 $0x62700, s5;
	s0 =	sadd.s32 s14, s9;
	[dreg:$0xa] =	wrdreg s16  }
0x10: {  	s4 =	sadd.s32 s1, s4;
	s2 =	sadd.s32 s2, s8;
	[dreg:$0xb] =	wrdreg s17  }
0x11: {  	s26 =	sadd.s32 $0x63380, s5;
	s14 =	simm.s32 $0x9;
	[dreg:$0xc] =	wrdreg s18  }
0x12: {  	s19 =	sor.u32 $0x16C00, s0;
	s21 =	sadd.s32 $0x62F00, s4;
	s22 =	sor.u32 $0x10800, s0  }
0x13: {  	[dreg:$0x4] =	wrdreg s2;
	s24 =	sor.u32 $0x1D000, s0;
	s0 =	sadd.s32 $0x23400, s0  }
0x14: {  	[dreg:$0xe] =	wrdreg s26;
	s12 =	sadd.s32 $0x63B80, s4;
	s15 =	simm.s32 $0x80  }
0x15: {  	s16 =	simm.s32 $0x6400;
	s17 =	simm.s32 $0x48;
	s18 =	simm.s32 $0xE400  }
0x16: {  	s26 =	simm.s32 $0xA400;
	s4 =	simm.s32 $0x0;
	s6 =	sshrl.u32 s19, $0x3  }
0x17: {  	[dreg:$0xd] =	wrdreg s21;
	s23 =	sshrl.u32 s22, $0x3;
	s0 =	sshrl.u32 s0, $0x3  }
0x18: {  	s22 =	simm.s32 $0xF600;
	s19 =	simm.s32 $0x11A00;
	s6 =	sadd.s32 s6, s1  }
0x19: {  	s21 =	simm.s32 $0x3;
	s2 =	sadd.s32 s23, s1;
	[dreg:$0x3] =	wrdreg s6  }
0x1a: {  	s0 =	sadd.s32 s0, s1;
	s23 =	simm.s32 $0x1;
	[dreg:$0x5] =	wrdreg s2  }
0x1b: {  	s6 =	sshrl.u32 s24, $0x3;
	[dreg:$0x7] =	wrdreg s0;
	s24 =	simm.s32 $0x40  }
0x1c: {  	s0 =	simm.s32 $0xC400;
	s2 =	simm.s32 $0x8;
	s25 =	sadd.s32 s6, s1  }
0x1d: {  	s1 =	simm.s32 $0x7;
	[dreg:$0x6] =	wrdreg s25;
	s25 =	simm.s32 $0x5  }
.LBB2_1:
0x1e: {  	s6 =	simm.s32 $0x0;
	s7 =	rddreg [dreg:$0x8]  }
0x1f: {  	[tilespmem:s6], [sflag:$0x9] =	stream.linear.gather [hbm4b:s7+s6], $0x6400, $0x38;
	[tilespmem:$0x12C00] =	vst v63  }
0x20: {  	_ =	swait.ge [sflag:s14], $0x6400  }
0x21: {  	[sflag:s14] =	ssyncset.done $0x0  }
0x22: {  	[sflag:s14] =	ssyncadd.s32 $0xFFFF9C00  }
0x23: {  	[tilespmem:s16], [sflag:$0x1] =	stream.indirect.gather [hbm4b:s3+s15], $0x40, s6, s15, $0xb8;
	[tilespmem:$0x12C00] =	vst v63  }
0x24: {  	_ = 	snop  }
0x25: {  	[tilespmem:s18], [sflag:$0x1] =	stream.indirect.gather [hbm4b:s3+s17], $0x40, s15, s17, $0xb8;
	[tilespmem:$0x12C00] =	vst v63  }
0x26: {  	s10 =	simm.s32 $0xC8  }
0x27: {  	[tilespmem:s20], [sflag:$0x2] =	stream.indirect.gather [hbm4b:s3+s15], $0x40, s10, s15, $0xb8;
	[tilespmem:$0x12C00] =	vst v63  }
0x28: {  	s11 =	simm.s32 $0x148  }
0x29: {  	[tilespmem:s22], [sflag:$0x2] =	stream.indirect.gather [hbm4b:s3+s17], $0x40, s11, s17, $0xb8;
	[tilespmem:$0x12C00] =	vst v63  }
0x2a: {  	_ =	swait.ge [sflag:s23], $0x2000  }
0x2b: {  	[sflag:s23] =	ssyncset.done $0x0  }
0x2c: {  	[sflag:s23] =	ssyncadd.s32 $0xFFFFE000  }
0x2d: {  	_ =	swait.ge [sflag:s23], $0x1200  }
0x2e: {  	[sflag:s23] =	ssyncset.done $0x0  }
0x2f: {  	[sflag:s23] =	ssyncadd.s32 $0xFFFFEE00  }
0x30: {  	[hbm4b:s5+s24] =	stream.strided.scatter [tilespmem:s16], [sflag:$0x5], $0x2000, s15, s24, $0x38;
	[tilespmem:$0x12C00] =	vst v63  }
0x31: {  	s7 =	rddreg [dreg:$0x9]  }
0x32: {  	[hbm4b:s7+s24] =	stream.strided.scatter [tilespmem:s18], [sflag:$0x5], $0x1200, s15, s24, $0x38;
	[tilespmem:$0x12C00] =	vst v63  }
0x33: {  	s8 =	simm.s32 $0x190  }
0x34: {  	[tilespmem:s26], [sflag:$0x3] =	stream.indirect.gather [hbm4b:s3+s15], $0x40, s8, s15, $0xb8;
	[tilespmem:$0x12C00] =	vst v63  }
0x35: {  	s9 =	simm.s32 $0x210  }
0x36: {  	[tilespmem:s29], [sflag:$0x3] =	stream.indirect.gather [hbm4b:s3+s17], $0x40, s9, s17, $0xb8;
	[tilespmem:$0x12C00] =	vst v63  }
0x37: {  	_ =	swait.ge [sflag:s30], $0x2000  }
0x38: {  	[sflag:s30] =	ssyncset.done $0x0  }
0x39: {  	[sflag:s30] =	ssyncadd.s32 $0xFFFFE000  }
0x3a: {  	_ =	swait.ge [sflag:s30], $0x1200  }
0x3b: {  	[sflag:s30] =	ssyncset.done $0x0  }
0x3c: {  	s10 =	rddreg [dreg:$0xa];
	[sflag:s30] =	ssyncadd.s32 $0xFFFFEE00  }
0x3d: {  	[hbm4b:s10+s24] =	stream.strided.scatter [tilespmem:s20], [sflag:$0x6], $0x2000, s15, s24, $0x38;
	[tilespmem:$0x12C00] =	vst v63  }
0x3e: {  	s11 =	rddreg [dreg:$0xb]  }
0x3f: {  	[hbm4b:s11+s24] =	stream.strided.scatter [tilespmem:s22], [sflag:$0x6], $0x1200, s15, s24, $0x38;
	[tilespmem:$0x12C00] =	vst v63  }
0x40: {  	s7 =	simm.s32 $0x258  }
0x41: {  	[tilespmem:s0], [sflag:$0x4] =	stream.indirect.gather [hbm4b:s3+s15], $0x40, s7, s15, $0xb8;
	[tilespmem:$0x12C00] =	vst v63  }
0x42: {  	s8 =	simm.s32 $0x2D8  }
0x43: {  	[tilespmem:s19], [sflag:$0x4] =	stream.indirect.gather [hbm4b:s3+s17], $0x40, s8, s17, $0xb8;
	[tilespmem:$0x12C00] =	vst v63  }
0x44: {  	_ =	swait.ge [sflag:s21], $0x2000  }
0x45: {  	[sflag:s21] =	ssyncset.done $0x0  }
0x46: {  	[sflag:s21] =	ssyncadd.s32 $0xFFFFE000  }
0x47: {  	_ =	swait.ge [sflag:s21], $0x1200  }
0x48: {  	s9 =	rddreg [dreg:$0x4]  }
0x49: {  	[sflag:s21] =	ssyncset.done $0x0;
	s6 =	sadd.s32 $0x0, s9  }
0x4a: {  	s10 =	rddreg [dreg:$0x5];
	[sflag:s21] =	ssyncadd.s32 $0xFFFFEE00;
	s8 =	sadd.s32 $0x1900, s6  }
0x4b: {  	[hbm4b:s8+s24] =	stream.strided.scatter [tilespmem:s26], [sflag:$0x7], $0x2000, s15, s24, $0x38;
	[tilespmem:$0x12C00] =	vst v63  }
0x4c: {  	s7 =	sadd.s32 $0x0, s10  }
0x4d: {  	[hbm4b:s7+s24] =	stream.strided.scatter [tilespmem:s29], [sflag:$0x7], $0x1200, s15, s24, $0x38;
	[tilespmem:$0x12C00] =	vst v63  }
0x4e: {  	_ =	swait.ge [sflag:s25], $0x2000  }
0x4f: {  	[sflag:s25] =	ssyncset.done $0x0  }
0x50: {  	[sflag:s25] =	ssyncadd.s32 $0xFFFFE000  }
0x51: {  	_ =	swait.ge [sflag:s25], $0x1200  }
0x52: {  	[sflag:s25] =	ssyncset.done $0x0  }
0x53: {  	s11 =	simm.s32 $0x320;
	[sflag:s25] =	ssyncadd.s32 $0xFFFFEE00  }
0x54: {  	[tilespmem:s16], [sflag:$0x1] =	stream.indirect.gather [hbm4b:s3+s15], $0x40, s11, s15, $0xb8;
	[tilespmem:$0x12C00] =	vst v63  }
0x55: {  	s8 =	simm.s32 $0x3A0  }
0x56: {  	[tilespmem:s18], [sflag:$0x1] =	stream.indirect.gather [hbm4b:s3+s17], $0x40, s8, s17, $0xb8;
	[tilespmem:$0x12C00] =	vst v63  }
0x57: {  	_ =	swait.ge [sflag:s28], $0x2000  }
0x58: {  	[sflag:s28] =	ssyncset.done $0x0  }
0x59: {  	[sflag:s28] =	ssyncadd.s32 $0xFFFFE000  }
0x5a: {  	_ =	swait.ge [sflag:s28], $0x1200  }
0x5b: {  	[sflag:s28] =	ssyncset.done $0x0  }
0x5c: {  	s10 =	sadd.s32 $0x2580, s6;
	s9 =	rddreg [dreg:$0x3];
	[sflag:s28] =	ssyncadd.s32 $0xFFFFEE00  }
0x5d: {  	[hbm4b:s10+s24] =	stream.strided.scatter [tilespmem:s0], [sflag:$0x8], $0x2000, s15, s24, $0x38;
	[tilespmem:$0x12C00] =	vst v63  }
0x5e: {  	s7 =	sadd.s32 $0x0, s9  }
0x5f: {  	[hbm4b:s7+s24] =	stream.strided.scatter [tilespmem:s19], [sflag:$0x8], $0x1200, s15, s24, $0x38;
	[tilespmem:$0x12C00] =	vst v63  }
0x60: {  	_ =	swait.ge [sflag:s31], $0x2000  }
0x61: {  	[sflag:s31] =	ssyncset.done $0x0  }
0x62: {  	[sflag:s31] =	ssyncadd.s32 $0xFFFFE000  }
0x63: {  	_ =	swait.ge [sflag:s31], $0x1200  }
0x64: {  	[sflag:s31] =	ssyncset.done $0x0  }
0x65: {  	s11 =	simm.s32 $0x3E8;
	[sflag:s31] =	ssyncadd.s32 $0xFFFFEE00  }
0x66: {  	[tilespmem:s20], [sflag:$0x2] =	stream.indirect.gather [hbm4b:s3+s15], $0x40, s11, s15, $0xb8;
	[tilespmem:$0x12C00] =	vst v63  }
0x67: {  	s8 =	simm.s32 $0x468  }
0x68: {  	[tilespmem:s22], [sflag:$0x2] =	stream.indirect.gather [hbm4b:s3+s17], $0x40, s8, s17, $0xb8;
	[tilespmem:$0x12C00] =	vst v63  }
0x69: {  	_ =	swait.ge [sflag:s23], $0x2000  }
0x6a: {  	[sflag:s23] =	ssyncset.done $0x0  }
0x6b: {  	[sflag:s23] =	ssyncadd.s32 $0xFFFFE000  }
0x6c: {  	_ =	swait.ge [sflag:s23], $0x1200  }
0x6d: {  	[sflag:s23] =	ssyncset.done $0x0  }
0x6e: {  	s10 =	sadd.s32 $0x3200, s6;
	s9 =	rddreg [dreg:$0x6];
	[sflag:s23] =	ssyncadd.s32 $0xFFFFEE00  }
0x6f: {  	[hbm4b:s10+s24] =	stream.strided.scatter [tilespmem:s16], [sflag:$0x5], $0x2000, s15, s24, $0x38;
	[tilespmem:$0x12C00] =	vst v63  }
0x70: {  	s7 =	sadd.s32 $0x0, s9  }
0x71: {  	[hbm4b:s7+s24] =	stream.strided.scatter [tilespmem:s18], [sflag:$0x5], $0x1200, s15, s24, $0x38;
	[tilespmem:$0x12C00] =	vst v63  }
0x72: {  	_ =	swait.ge [sflag:s1], $0x2000  }
0x73: {  	[sflag:s1] =	ssyncset.done $0x0  }
0x74: {  	[sflag:s1] =	ssyncadd.s32 $0xFFFFE000  }
0x75: {  	_ =	swait.ge [sflag:s1], $0x1200  }
0x76: {  	[sflag:s1] =	ssyncset.done $0x0  }
0x77: {  	s11 =	simm.s32 $0x4B0;
	[sflag:s1] =	ssyncadd.s32 $0xFFFFEE00  }
0x78: {  	[tilespmem:s26], [sflag:$0x3] =	stream.indirect.gather [hbm4b:s3+s15], $0x40, s11, s15, $0xb8;
	[tilespmem:$0x12C00] =	vst v63  }
0x79: {  	s8 =	simm.s32 $0x530  }
0x7a: {  	[tilespmem:s29], [sflag:$0x3] =	stream.indirect.gather [hbm4b:s3+s17], $0x40, s8, s17, $0xb8;
	[tilespmem:$0x12C00] =	vst v63  }
0x7b: {  	_ =	swait.ge [sflag:s30], $0x2000  }
0x7c: {  	[sflag:s30] =	ssyncset.done $0x0  }
0x7d: {  	[sflag:s30] =	ssyncadd.s32 $0xFFFFE000  }
0x7e: {  	_ =	swait.ge [sflag:s30], $0x1200  }
0x7f: {  	[sflag:s30] =	ssyncset.done $0x0  }
0x80: {  	s6 =	sadd.s32 $0x3E80, s6;
	s9 =	rddreg [dreg:$0x7];
	[sflag:s30] =	ssyncadd.s32 $0xFFFFEE00  }
0x81: {  	[hbm4b:s6+s24] =	stream.strided.scatter [tilespmem:s20], [sflag:$0x6], $0x2000, s15, s24, $0x38;
	[tilespmem:$0x12C00] =	vst v63  }
0x82: {  	s10 =	sadd.s32 $0x0, s9  }
0x83: {  	[hbm4b:s10+s24] =	stream.strided.scatter [tilespmem:s22], [sflag:$0x6], $0x1200, s15, s24, $0x38;
	[tilespmem:$0x12C00] =	vst v63  }
0x84: {  	_ =	swait.ge [sflag:s2], $0x2000  }
0x85: {  	[sflag:s2] =	ssyncset.done $0x0  }
0x86: {  	[sflag:s2] =	ssyncadd.s32 $0xFFFFE000  }
0x87: {  	_ =	swait.ge [sflag:s2], $0x1200  }
0x88: {  	s7 =	simm.s32 $0x640;
	s11 =	simm.s32 $0x578;
	[sflag:s2] =	ssyncset.done $0x0  }
0x89: {  	s8 =	simm.s32 $0x5F8;
	s6 =	simm.s32 $0x3200;
	[sflag:s2] =	ssyncadd.s32 $0xFFFFEE00  }
0x8a: {  	[tilespmem:s0], [sflag:$0x4] =	stream.indirect.gather [hbm4b:s3+s15], $0x40, s11, s15, $0xb8;
	[tilespmem:$0x12C00] =	vst v63  }
.LBB2_2:
0x8b: {  	[tilespmem:s19], [sflag:$0x4] =	stream.indirect.gather [hbm4b:s3+s17], $0x40, s8, s17, $0xb8;
	[tilespmem:$0x12C00] =	vst v63  }
0x8c: {  	_ =	swait.ge [sflag:s21], $0x2000  }
0x8d: {  	[sflag:s21] =	ssyncset.done $0x0  }
0x8e: {  	[sflag:s21] =	ssyncadd.s32 $0xFFFFE000  }
0x8f: {  	_ =	swait.ge [sflag:s21], $0x1200  }
0x90: {  	s8 =	smov.u32 s6;
	s9 =	rddreg [dreg:$0x4]  }
0x91: {  	[sflag:s21] =	ssyncset.done $0x0;
	s9 =	sadd.s32 s8, s9  }
0x92: {  	s10 =	rddreg [dreg:$0x5];
	[sflag:s21] =	ssyncadd.s32 $0xFFFFEE00;
	s11 =	sadd.s32 $0x1900, s9  }
0x93: {  	[hbm4b:s11+s24] =	stream.strided.scatter [tilespmem:s26], [sflag:$0x7], $0x2000, s15, s24, $0x38;
	[tilespmem:$0x12C00] =	vst v63  }
0x94: {  	s10 =	sadd.s32 s8, s10  }
0x95: {  	[hbm4b:s10+s24] =	stream.strided.scatter [tilespmem:s29], [sflag:$0x7], $0x1200, s15, s24, $0x38;
	[tilespmem:$0x12C00] =	vst v63  }
0x96: {  	_ =	swait.ge [sflag:s25], $0x2000  }
0x97: {  	[sflag:s25] =	ssyncset.done $0x0  }
0x98: {  	[sflag:s25] =	ssyncadd.s32 $0xFFFFE000  }
0x99: {  	_ =	swait.ge [sflag:s25], $0x1200  }
0x9a: {  	[sflag:s25] =	ssyncset.done $0x0  }
0x9b: {  	[sflag:s25] =	ssyncadd.s32 $0xFFFFEE00  }
0x9c: {  	[tilespmem:s16], [sflag:$0x1] =	stream.indirect.gather [hbm4b:s3+s15], $0x40, s7, s15, $0xb8;
	[tilespmem:$0x12C00] =	vst v63  }
0x9d: {  	s11 =	sadd.s32 $0x80, s7  }
0x9e: {  	[tilespmem:s18], [sflag:$0x1] =	stream.indirect.gather [hbm4b:s3+s17], $0x40, s11, s17, $0xb8;
	[tilespmem:$0x12C00] =	vst v63  }
0x9f: {  	_ =	swait.ge [sflag:s28], $0x2000  }
0xa0: {  	[sflag:s28] =	ssyncset.done $0x0  }
0xa1: {  	[sflag:s28] =	ssyncadd.s32 $0xFFFFE000  }
0xa2: {  	_ =	swait.ge [sflag:s28], $0x1200  }
0xa3: {  	[sflag:s28] =	ssyncset.done $0x0  }
0xa4: {  	s11 =	sadd.s32 $0x2580, s9;
	s10 =	rddreg [dreg:$0x3];
	[sflag:s28] =	ssyncadd.s32 $0xFFFFEE00  }
0xa5: {  	[hbm4b:s11+s24] =	stream.strided.scatter [tilespmem:s0], [sflag:$0x8], $0x2000, s15, s24, $0x38;
	[tilespmem:$0x12C00] =	vst v63  }
0xa6: {  	s10 =	sadd.s32 s8, s10  }
0xa7: {  	[hbm4b:s10+s24] =	stream.strided.scatter [tilespmem:s19], [sflag:$0x8], $0x1200, s15, s24, $0x38;
	[tilespmem:$0x12C00] =	vst v63  }
0xa8: {  	_ =	swait.ge [sflag:s31], $0x2000  }
0xa9: {  	[sflag:s31] =	ssyncset.done $0x0  }
0xaa: {  	[sflag:s31] =	ssyncadd.s32 $0xFFFFE000  }
0xab: {  	_ =	swait.ge [sflag:s31], $0x1200  }
0xac: {  	[sflag:s31] =	ssyncset.done $0x0  }
0xad: {  	s11 =	sadd.s32 $0xC8, s7;
	[sflag:s31] =	ssyncadd.s32 $0xFFFFEE00  }
0xae: {  	[tilespmem:s20], [sflag:$0x2] =	stream.indirect.gather [hbm4b:s3+s15], $0x40, s11, s15, $0xb8;
	[tilespmem:$0x12C00] =	vst v63  }
0xaf: {  	s11 =	sadd.s32 $0x148, s7  }
0xb0: {  	[tilespmem:s22], [sflag:$0x2] =	stream.indirect.gather [hbm4b:s3+s17], $0x40, s11, s17, $0xb8;
	[tilespmem:$0x12C00] =	vst v63  }
0xb1: {  	_ =	swait.ge [sflag:s23], $0x2000  }
0xb2: {  	[sflag:s23] =	ssyncset.done $0x0  }
0xb3: {  	[sflag:s23] =	ssyncadd.s32 $0xFFFFE000  }
0xb4: {  	_ =	swait.ge [sflag:s23], $0x1200  }
0xb5: {  	[sflag:s23] =	ssyncset.done $0x0  }
0xb6: {  	s11 =	sadd.s32 $0x3200, s9;
	s10 =	rddreg [dreg:$0x6];
	[sflag:s23] =	ssyncadd.s32 $0xFFFFEE00  }
0xb7: {  	[hbm4b:s11+s24] =	stream.strided.scatter [tilespmem:s16], [sflag:$0x5], $0x2000, s15, s24, $0x38;
	[tilespmem:$0x12C00] =	vst v63  }
0xb8: {  	s10 =	sadd.s32 s8, s10  }
0xb9: {  	[hbm4b:s10+s24] =	stream.strided.scatter [tilespmem:s18], [sflag:$0x5], $0x1200, s15, s24, $0x38;
	[tilespmem:$0x12C00] =	vst v63  }
0xba: {  	_ =	swait.ge [sflag:s1], $0x2000  }
0xbb: {  	[sflag:s1] =	ssyncset.done $0x0  }
0xbc: {  	[sflag:s1] =	ssyncadd.s32 $0xFFFFE000  }
0xbd: {  	_ =	swait.ge [sflag:s1], $0x1200  }
0xbe: {  	[sflag:s1] =	ssyncset.done $0x0  }
0xbf: {  	s11 =	sadd.s32 $0x190, s7;
	[sflag:s1] =	ssyncadd.s32 $0xFFFFEE00  }
0xc0: {  	[tilespmem:s26], [sflag:$0x3] =	stream.indirect.gather [hbm4b:s3+s15], $0x40, s11, s15, $0xb8;
	[tilespmem:$0x12C00] =	vst v63  }
0xc1: {  	s11 =	sadd.s32 $0x210, s7  }
0xc2: {  	[tilespmem:s29], [sflag:$0x3] =	stream.indirect.gather [hbm4b:s3+s17], $0x40, s11, s17, $0xb8;
	[tilespmem:$0x12C00] =	vst v63  }
0xc3: {  	_ =	swait.ge [sflag:s30], $0x2000  }
0xc4: {  	[sflag:s30] =	ssyncset.done $0x0  }
0xc5: {  	[sflag:s30] =	ssyncadd.s32 $0xFFFFE000  }
0xc6: {  	_ =	swait.ge [sflag:s30], $0x1200  }
0xc7: {  	[sflag:s30] =	ssyncset.done $0x0  }
0xc8: {  	s9 =	sadd.s32 $0x3E80, s9;
	s11 =	rddreg [dreg:$0x7];
	[sflag:s30] =	ssyncadd.s32 $0xFFFFEE00  }
0xc9: {  	[hbm4b:s9+s24] =	stream.strided.scatter [tilespmem:s20], [sflag:$0x6], $0x2000, s15, s24, $0x38;
	[tilespmem:$0x12C00] =	vst v63  }
0xca: {  	s8 =	sadd.s32 s8, s11  }
0xcb: {  	[hbm4b:s8+s24] =	stream.strided.scatter [tilespmem:s22], [sflag:$0x6], $0x1200, s15, s24, $0x38;
	[tilespmem:$0x12C00] =	vst v63  }
0xcc: {  	_ =	swait.ge [sflag:s2], $0x2000  }
0xcd: {  	p0 =	sne.s32 s6, $0x5DC00;
	[sflag:s2] =	ssyncset.done $0x0  }
.Ltmp0:
0xce: {  	[sflag:s2] =	ssyncadd.s32 $0xFFFFE000;
	(pc) =	sbr.rel @p0 .LBB2_2-.Ltmp0, $4  }
0xcf: {  	_ =	swait.ge [sflag:s2], $0x1200  }
0xd0: {  	s6 =	sadd.s32 $0x3200, s6;
	s11 =	sadd.s32 $0x258, s7;
	[sflag:s2] =	ssyncset.done $0x0  }
0xd1: {  	s8 =	sadd.s32 $0x2D8, s7;
	s7 =	sadd.s32 $0x320, s7;
	[sflag:s2] =	ssyncadd.s32 $0xFFFFEE00  }
0xd2: {  	[tilespmem:s0], [sflag:$0x4] =	stream.indirect.gather [hbm4b:s3+s15], $0x40, s11, s15, $0xb8;
	[tilespmem:$0x12C00] =	vst v63  }
0xd3: {  	[tilespmem:s19], [sflag:$0x4] =	stream.indirect.gather [hbm4b:s3+s17], $0x40, s8, s17, $0xb8;
	[tilespmem:$0x12C00] =	vst v63  }
0xd4: {  	_ =	swait.ge [sflag:s21], $0x2000  }
0xd5: {  	[sflag:s21] =	ssyncset.done $0x0  }
0xd6: {  	[sflag:s21] =	ssyncadd.s32 $0xFFFFE000  }
0xd7: {  	_ =	swait.ge [sflag:s21], $0x1200  }
0xd8: {  	[sflag:s21] =	ssyncset.done $0x0  }
0xd9: {  	s6 =	rddreg [dreg:$0xc];
	[sflag:s21] =	ssyncadd.s32 $0xFFFFEE00  }
0xda: {  	[hbm4b:s6+s24] =	stream.strided.scatter [tilespmem:s26], [sflag:$0x7], $0x2000, s15, s24, $0x38;
	[tilespmem:$0x12C00] =	vst v63  }
0xdb: {  	s10 =	rddreg [dreg:$0xd]  }
0xdc: {  	[hbm4b:s10+s24] =	stream.strided.scatter [tilespmem:s29], [sflag:$0x7], $0x1200, s15, s24, $0x38;
	[tilespmem:$0x12C00] =	vst v63  }
0xdd: {  	_ =	swait.ge [sflag:s25], $0x2000  }
0xde: {  	[sflag:s25] =	ssyncset.done $0x0  }
0xdf: {  	[sflag:s25] =	ssyncadd.s32 $0xFFFFE000  }
0xe0: {  	_ =	swait.ge [sflag:s25], $0x1200  }
0xe1: {  	[sflag:s25] =	ssyncset.done $0x0  }
0xe2: {  	[sflag:s25] =	ssyncadd.s32 $0xFFFFEE00  }
0xe3: {  	_ =	swait.ge [sflag:s28], $0x2000  }
0xe4: {  	[sflag:s28] =	ssyncset.done $0x0  }
0xe5: {  	[sflag:s28] =	ssyncadd.s32 $0xFFFFE000  }
0xe6: {  	_ =	swait.ge [sflag:s28], $0x1200  }
0xe7: {  	[sflag:s28] =	ssyncset.done $0x0  }
0xe8: {  	s11 =	rddreg [dreg:$0xe];
	[sflag:s28] =	ssyncadd.s32 $0xFFFFEE00  }
0xe9: {  	[hbm4b:s11+s24] =	stream.strided.scatter [tilespmem:s0], [sflag:$0x8], $0x2000, s15, s24, $0x38;
	[tilespmem:$0x12C00] =	vst v63  }
0xea: {  	_ = 	snop  }
0xeb: {  	[hbm4b:s12+s24] =	stream.strided.scatter [tilespmem:s19], [sflag:$0x8], $0x1200, s15, s24, $0x38;
	[tilespmem:$0x12C00] =	vst v63  }
0xec: {  	_ =	swait.ge [sflag:s31], $0x2000  }
0xed: {  	[sflag:s31] =	ssyncset.done $0x0  }
0xee: {  	[sflag:s31] =	ssyncadd.s32 $0xFFFFE000  }
0xef: {  	_ =	swait.ge [sflag:s31], $0x1200  }
0xf0: {  	[sflag:s31] =	ssyncset.done $0x0  }
0xf1: {  	[sflag:s31] =	ssyncadd.s32 $0xFFFFEE00  }
0xf2: {  	_ =	swait.ge [sflag:s1], $0x2000  }
0xf3: {  	[sflag:s1] =	ssyncset.done $0x0  }
0xf4: {  	[sflag:s1] =	ssyncadd.s32 $0xFFFFE000  }
0xf5: {  	_ =	swait.ge [sflag:s1], $0x1200  }
0xf6: {  	[sflag:s1] =	ssyncset.done $0x0  }
0xf7: {  	s4 =	sadd.s32 $0x1, s4;
	[sflag:s1] =	ssyncadd.s32 $0xFFFFEE00  }
0xf8: {  	p0 =	sne.s32 s4, s13;
	_ =	swait.ge [sflag:s2], $0x2000  }
.Ltmp1:
0xf9: {  	[sflag:s2] =	ssyncset.done $0x0;
	(pc) =	sbr.rel @p0 .LBB2_1-.Ltmp1, $4  }
0xfa: {  	[sflag:s2] =	ssyncadd.s32 $0xFFFFE000  }
0xfb: {  	_ =	swait.ge [sflag:s2], $0x1200  }
0xfc: {  	[sflag:s2] =	ssyncset.done $0x0  }
0xfd: {  	[sflag:s2] =	ssyncadd.s32 $0xFFFFEE00  }
0xfe: {  	_ =	sfence.sel $0x180000  }
0xff: {  	[bflag:$0x0] =	sbarrier.arrive $0xFFFF  }
0x100: {  	_ =	strace $0x90000047  }
0x101: {  	s0 =	stileid.u32;
	[bflag:$0x2] =	sbarrier.arrive $0xFFFF  }
0x102: {  	p0 =	sne.s32 s0, $0x0;
	s0 =	rddreg [dreg:$0x2]  }
0x103: {  	s0 =	sadd.s32 @!p0 $0x100000, s0  }
0x104: {  	[sflag:s0] =	ssyncadd.tile.s32 @!p0 $0x1;
	_ =	shalt  }
.Lfunc_end2:
_tile_overlayer_lowered:
.L_overlay_start_2:
0x105: {  	(tag) =	ssettag $0x2  }
0x106: {  	s0 =	rddreg [dreg:$0x0];
	s2 =	stileid.u32  }
0x107: {  	s1 =	rddreg [dreg:$0x1];
	p0 =	sne.s32 s2, $0x0  }
0x108: {  	s3 =	rddreg [dreg:$0x2];
	[bflag:$0x3] =	sbarrier.arrive $0xFFFF;
	s2 =	simm.s32 @!p0 $0x1C09  }
0x109: {  	[timem:s3], [sflag:s2] =	dma.local @!p0 [hbm:s0], s1  }
0x10a: {  	s0 =	simm.s32 @!p0 $0x9  }
0x10b: {  	_ =	swait.ge @!p0 [sflag:s0], s1  }
0x10c: {  	s1 =	ssub.s32 @!p0 $0x0, s1;
	[sflag:s0] =	ssyncset.done @!p0 $0x0  }
0x10d: {  	[sflag:s0] =	ssyncadd.s32 @!p0 s1  }
0x10e: {  	[bflag:$0x3] =	sbarrier.arrive $0xFFFF  }
0x10f: {  	_ =	shalt  }

// kernel: sparse-core-data-format-call.cloned.1.call-start
scs
called_computation_lowered:
.L_overlay_start_0:
0x0: {  	s2 =	sld [smem:$0x3FD9]  }
0x1: {  	s3 =	sld [smem:$0x3FFE];
	_ =	sdelay $0x1  }
0x2: {  	s1 =	srdreg.scid  }
0x3: {  	s0 =	sand.u32 $0x1, s1  }
0x4: {  	s18 =	sshll.u32 s0, $0xA;
	s2 =	sadd.s32 s3, s2  }
0x5: {  	s2 =	sadd.s32 s2, s18  }
0x6: {  	[smem:$0x3FC6] =	sst s2  }
0x7: {  	_ = 	snop  }
0x8: {  	s2 =	sld [smem:$0x3FD0];
	(tm) =	ssettm $0x1  }
0x9: {  	s19 =	sld [smem:$0x3FFB];
	_ =	sdelay $0x3  }
0xa: {  	_ =	strace s19  }
0xb: {  	s3 =	sld [smem:$0x3FFC];
	_ =	sdelay $0x3  }
0xc: {  	_ =	strace s3  }
0xd: {  	s3 =	sld [smem:$0x3FFD];
	_ =	sdelay $0x3  }
0xe: {  	_ =	strace s3  }
0xf: {  	_ =	strace $0x8FFFFFFF  }
0x10: {  	s20 =	sld [smem:$0x3FDB];
	_ =	sdelay $0x1  }
0x11: {  	s4 =	simm.s32 $_scs_section_size  }
0x12: {  	s5 =	simm.s32 $_size__tile_overlayer_lowered;
	s6 =	simm.s32 $_tile_overlayer_lowered  }
0x13: {  	s23 =	simm.s32 $0x1BFF;
	s22 =	sshll.u32 s6, $0x1;
	s3 =	sadd.s32 s4, s20  }
0x14: {  	s7 =	simm.s32 $0x0;
	s21 =	sshll.u32 s5, $0x1;
	s5 =	sadd.s32 s22, s3  }
0x15: {  	[timem:s7], [sflag:s23] =	dma.local [hbm:s5], s21  }
0x16: {  	_ =	swait.ge [sflag:s23], s21  }
0x17: {  	s4 =	ssub.s32 $0x0, s21;
	[sflag:s23] =	ssyncset.done $0x0  }
0x18: {  	[sflag:s23] =	ssyncadd.s32 s4;
	_ =	sdelay $0x1  }
0x19: {  	s24 =	simm.s32 $0x1B8B  }
0x1a: {  	_ =	swait.ge [sflag:s24], $0x1  }
0x1b: {  	[sflag:s24] =	ssyncset.done $0x0  }
0x1c: {  	s26 =	simm.s32 $0x1B8E;
	s25 =	sld [smem:$0x3FFE];
	[sflag:s24] =	ssyncadd.s32 $0xFFFFFFFF  }
0x1d: {  	s27 =	simm.s32 $execute0_lowered;
	[smem:$0x3FD2] =	sst s26  }
0x1e: {  	s5 =	sshll.u32 s27, $0x1;
	_ =	strace $0x80000049;
	[dreg:$0x1] =	wrdreg $0xFFFFFFFF  }
0x1f: {  	s28 =	simm.s32 $_size_execute0_lowered;
	s3 =	sadd.s32 s3, s5;
	[dreg:$0x0] =	wrdreg $0x0  }
0x20: {  	s5 =	sshll.u32 s28, $0x1;
	[dreg:$0x2] =	wrdreg s3  }
0x21: {  	[dreg:$0x3] =	wrdreg s5  }
0x22: {  	[dreg:$0x4] =	wrdreg $0xC0  }
0x23: {  	_ =	task [dreg:s7], $0x5FFFF  }
0x24: {  	[dreg:$0x1] =	wrdreg $0xFFFFFFFF  }
0x25: {  	[dreg:$0x0] =	wrdreg $0x60  }
0x26: {  	[dreg:$0x2] =	wrdreg s25  }
0x27: {  	[dreg:$0x3] =	wrdreg s2  }
0x28: {  	[dreg:$0x4] =	wrdreg $0x9  }
0x29: {  	_ =	task.clear_ibuf [dreg:s7], $0x5FFFF;
	_ =	strace $0x90000049  }
0x2a: {  	s29 =	simm.s32 $0x9;
	_ =	strace $0x8000004B  }
0x2b: {  	_ =	swait.ge [sflag:s29], $0x1  }
0x2c: {  	[sflag:s29] =	ssyncadd.s32 $0xFFFFFFFF  }
0x2d: {  	_ =	strace $0x9000004B  }
0x2e: {  	_ =	sfence  }
0x2f: {  	s30 =	sld [smem:$0x0];
	_ =	sdelay $0x2  }
0x30: {  	s31 =	sshll.u32 s1, $0xD;
	s1 =	sshrl.u32 s1, $0x2  }
0x31: {  	s3 =	sand.u32 $0x4000, s31;
	s1 =	sadd.s32 s1, s30  }
0x32: {  	s0 =	sor.u32 s3, s0;
	s1 =	sshll.u32 s1, $0x11  }
0x33: {  	s0 =	sor.u32 s1, s0  }
0x34: {  	s0 =	sadd.s32 $0x8F2B, s0  }
0x35: {  	[sflag:s0] =	ssyncadd.remote.s32 $0x1  }
0x36: {  	_ =	sfence.sel $0xFFFF  }
0x37: {  	[dreg:$0x0] =	wrdreg $0xFFFFFFFF;
	(pc) =	sbr.abs _section_cstart, $3  }
0x38: {  	[dreg:$0x1] =	wrdreg $0xFFFFFFFF  }
0x39: {  	_ =	task.clear_ibuf [dreg:s7], $0x2FFFF;
	_ =	strace $0x9FFFFFFF  }
0x3a: {  	(tm) =	ssettm $0x7FFFFFFF  }
0x3b: {  	_ =	shalt  }
tec
execute0_lowered:
.L_overlay_start_1:
0x0: {  	(tag) =	ssettag $0x1  }
0x1: {  	s0 =	srdreg.scid  }
0x2: {  	s1 =	sshll.u32 s0, $0x4  }
0x3: {  	s0 =	stileid.u32;
	s1 =	sand.u32 $0x10, s1  }
0x4: {  	s1 =	sor.u32 s0, s1  }
0x5: {  	s6 =	rddreg [dreg:$0x0];
	s4 =	simm.s32 $0x1;
	s2 =	sshll.u32 s1, $0x7  }
0x6: {  	s7 =	simm.s32 $0x2;
	s12 =	simm.s32 $0x0;
	s1 =	ssub.s32 $0x1000, s2  }
0x7: {  	s8 =	simm.s32 $0x8000;
	s13 =	simm.s32 $0x0;
	s3 =	sand.u32 $0xF80, s1  }
0x8: {  	s9 =	simm.s32 $0x0;
	s5 =	sshrl.u32 s1, $0xC;
	p0 =	sne.s32 s3, $0x0  }
.Ltmp0:
0x9: {  	s1 =	rddreg [dreg:$0x2];
	s4 =	simm.s32 @!p0 $0x0;
	(pc) =	sbr.rel .LBB1_1-.Ltmp0, $4  }
0xa: {  	s11 =	simm.s32 $0x0;
	s3 =	rddreg [dreg:$0x1];
	s5 =	sadd.s32 s4, s5  }
0xb: {  	_ =	strace $0x8000004A;
	s4 =	simm.s32 $0x1;
	s5 =	smul.u32 $0xC8, s5  }
0xc: {  	s6 =	sadd.s32 $0xA00, s6;
	s10 =	smov.u32 s2;
	[sflag:s4] =	ssyncpa.u1 $0x0  }
0xd: {  	p0 =	por $0x0, $0x0;
	[sflag:s7] =	ssyncpa.u1 $0x0;
	s7 =	sor.u32 $0x1, s5  }
.LBB1_4:
0xe: {  	s16 =	sshll.u32 s13, $0x3;
	s17 =	sand.u32 $0x78, s13  }
0xf: {  	s30 =	sand.u32 $0x7E00, s13;
	s12 =	sshll.u32 s12, $0xF;
	s16 =	sand.u32 $0xC00, s16  }
0x10: {  	[tilespmem:s15+$0x810 ss:$0x81] =	vst.msk $0xffff, v2;
	s31 =	sand.u32 $0x7, s13;
	s16 =	sor.u32 s17, s16;
	s17 =	sadd.s32 s3, s30  }
0x11: {  	[tilespmem:s15+$0x1020 ss:$0x81] =	vst.msk $0xffff, v0;
	s13 =	sshll.u32 s31, $0x12;
	s12 =	sadd.s32 s12, s17;
	s16 =	sshrl.u32 s16, $0x3  }
0x12: {  	[tilespmem:s15+$0x0 ss:$0x81] =	vst.msk $0xffff, v1;
	s13 =	sor.u32 $0x400, s13;
	s12 =	sadd.s32 s16, s12  }
0x13: {  	[hbm4b:s12+s13] =	stream.strided.scatter [tilespmem:s14], [sflag:$0x2], $0x2000, s8, s13, $0x20;
	[tilespmem:$0x8080] =	vst v63  }
.LBB1_5:
0x14: {  	s14 =	sadd.s32 $0x1, s9  }
0x15: {  	s12 =	sadd.s32 $0x1000, s10;
	s16 =	smov.u32 s10;
	p2 =	sgt.s32 s14, $0xC7  }
0x16: {  	s16 =	smov.u32 @p2 s12  }
0x17: {  	s14 =	simm.s32 @p2 $0x0;
	p2 =	sgt.s32 s16, $0xFFF  }
0x18: {  	s16 =	smov.u32 @p2 s2;
	p2 =	sne.s32 s11, s7  }
.Ltmp1:
0x19: {  	p1 =	slt.u32 s11, $0x2;
	(pc) =	sbr.rel @!p2 .LBB1_6-.Ltmp1, $4  }
0x1a: {  	s15 =	simm.s32 @!p1 $0x2  }
0x1b: {  	s13 =	smov.u32 s10;
	p0 =	por !p0, !p0;
	_ =	swait.ge @!p1 [sflag:s15], $0x2000  }
0x1c: {  	s12 =	smov.u32 s9;
	[sflag:s15] =	ssyncset.done @!p1 $0x0;
	s9 =	smov.u32 s14  }
0x1d: {  	s11 =	sadd.s32 $0x1, s11;
	[sflag:s15] =	ssyncadd.s32 @!p1 $0xFFFFE000;
	s10 =	smov.u32 s16  }
.LBB1_1:
0x1e: {  	p1 =	sge.u32 s11, s5  }
0x1f: {  	s14 =	sand.u32 @!p1 $0x1FFFFFF, s9  }
0x20: {  	s15 =	smulhi.u32 @!p1 $0x147AE15, s14;
	_ =	sdelay $0x1  }
0x21: {  	s15 =	smul.u32 @!p1 $0xC8, s15  }
0x22: {  	s16 =	sxor.u32 @!p1 $0xFFFFFFFF, s11;
	s17 =	smul.u32 @!p1 $0xC80, s10  }
0x23: {  	s31 =	sadd.s32 $0xFFFFFFFF, s11;
	s16 =	sshll.u32 @!p1 s16, $0xD;
	s14 =	ssub.s32 @!p1 s14, s15  }
0x24: {  	s15 =	sand.u32 @!p1 $0x2000, s16;
	s16 =	sadd.s32 @!p1 s6, s17;
	s14 =	sshll.u32 @!p1 s14, $0x4  }
0x25: {  	s17 =	simm.s32 @!p1 $0x6400;
	s14 =	sadd.s32 @!p1 s14, s16;
	s16 =	simm.s32 @!p1 $0x40  }
0x26: {  	[tilespmem:s15], [sflag:$0x1] =	stream.strided.gather @!p1 [hbm4b:s14+s16], $0x2000, s17, s16, $0x38;
	[tilespmem:$0x8080] =	vst v63  }
0x27: {  	p1 =	sge.u32 s31, s5  }
.Ltmp2:
0x28: {  	_ = 	snop;
	(pc) =	sbr.rel @p1 .LBB1_5-.Ltmp2, $1  }
0x29: {  	_ =	sdelay $0x3  }
0x2a: {  	s14 =	simm.s32 $0x1  }
0x2b: {  	_ =	swait.ge [sflag:s4], $0x2000;
	s14 =	simm.s32 @!p0 $0x0  }
0x2c: {  	[sflag:s4] =	ssyncset.done $0x0;
	s15 =	sshll.u32 s14, $0xD  }
0x2d: {  	[sflag:s4] =	ssyncadd.s32 $0xFFFFE000;
	s18 =	sor.u32 $0x20, s15  }
0x2e: {  	s14 =	smul.u32 $0x8100, s14;
	v3 =	vld [tilespmem:s18+$0x10]  }
0x2f: {  	s30 =	sand.u32 $0x1, s11;
	v2 =	vld [tilespmem:s18+$0xFFFFFFF0]  }
0x30: {  	s15 =	smul.u32 $0x8100, s30;
	s14 =	sshrl.u32 s14, $0x2;
	v0 =	vld [tilespmem:s18+$0x0]  }
0x31: {  	v1 =	vld [tilespmem:s18+$0xFFFFFFE0];
	s16 =	sor.u32 $0x4000, s14  }
0x32: {  	s31 =	sshrl.u32 s15, $0x2;
	s15 =	sadd.s32 $0x0, s16  }
0x33: {  	s17 =	simm.s32 $0x4;
	s18 =	sadd.s32 $0x40, s18;
	s14 =	sor.u32 $0x4000, s31;
	[tilespmem:s15+$0x1830 ss:$0x81] =	vst.msk $0xffff, v3  }
.LBB1_3:
0x34: {  	v3 =	vld [tilespmem:s18+$0x10];
	p1 =	sne.s32 s17, $0x1FC;
	[tilespmem:s15+$0x810 ss:$0x81] =	vst.msk $0xffff, v2;
	s19 =	smov.u32 s17;
	s17 =	sadd.s32 $0x4, s17  }
.Ltmp3:
0x35: {  	v2 =	vld [tilespmem:s18+$0xFFFFFFF0];
	[tilespmem:s15+$0x1020 ss:$0x81] =	vst.msk $0xffff, v0;
	(pc) =	sbr.rel @p1 .LBB1_3-.Ltmp3, $4  }
0x36: {  	v0 =	vld [tilespmem:s18+$0x0];
	[tilespmem:s15+$0x0 ss:$0x81] =	vst.msk $0xffff, v1  }
0x37: {  	s15 =	sshra.s32 s19, $0x2;
	v1 =	vld [tilespmem:s18+$0xFFFFFFE0]  }
0x38: {  	s15 =	sadd.s32 s15, s16  }
0x39: {  	s18 =	sadd.s32 $0x40, s18;
	[tilespmem:s15+$0x1830 ss:$0x81] =	vst.msk $0xffff, v3  }
.Ltmp4:
0x3a: {  	_ = 	snop;
	(pc) =	sbr.rel .LBB1_4-.Ltmp4, $1  }
0x3b: {  	_ =	sdelay $0x3  }
.LBB1_6:
0x3c: {  	_ =	sfence.sel $0x180000  }
0x3d: {  	s2 =	simm.s32 $0x1;
	[bflag:$0x0] =	sbarrier.arrive $0xFFFF  }
0x3e: {  	s31 =	simm.s32 $0x2;
	[sflag:s2] =	ssyncpa.u1 $0x1  }
0x3f: {  	[sflag:s31] =	ssyncpa.u1 $0x1  }
0x40: {  	p0 =	sne.s32 s0, $0x0;
	_ =	strace $0x9000004A  }
0x41: {  	s0 =	sadd.s32 @!p0 $0x100000, s1;
	[bflag:$0x2] =	sbarrier.arrive $0xFFFF  }
0x42: {  	[sflag:s0] =	ssyncadd.tile.s32 @!p0 $0x1;
	_ =	shalt  }
.Lfunc_end1:
_tile_overlayer_lowered:
.L_overlay_start_2:
0x43: {  	(tag) =	ssettag $0x2  }
0x44: {  	s0 =	rddreg [dreg:$0x0];
	s2 =	stileid.u32  }
0x45: {  	s1 =	rddreg [dreg:$0x1];
	p0 =	sne.s32 s2, $0x0  }
0x46: {  	s3 =	rddreg [dreg:$0x2];
	[bflag:$0x3] =	sbarrier.arrive $0xFFFF;
	s2 =	simm.s32 @!p0 $0x1C01  }
0x47: {  	[timem:s3], [sflag:s2] =	dma.local @!p0 [hbm:s0], s1  }
0x48: {  	s0 =	simm.s32 @!p0 $0x1  }
0x49: {  	_ =	swait.ge @!p0 [sflag:s0], s1  }
0x4a: {  	s1 =	ssub.s32 @!p0 $0x0, s1;
	[sflag:s0] =	ssyncset.done @!p0 $0x0  }
0x4b: {  	[sflag:s0] =	ssyncadd.s32 @!p0 s1  }
0x4c: {  	[bflag:$0x3] =	sbarrier.arrive $0xFFFF  }
0x4d: {  	_ =	shalt  }

</sc_bundles>
